<compile_context>
chip_gen: v7x
topology: tpu7x:2x2x1
jax: 0.10.2.dev20260603
libtpu: 0.0.44.dev20260713+nightly
codegen_flags: <defaults>
</compile_context>

<pallas_src>
import functools

import jax
import jax.numpy as jnp
from jax.experimental import pallas as pl
from jax.experimental.pallas import tpu as pltpu
from jax.experimental.pallas import tpu_sc as plsc

IMAGE_W = 800.0
IMAGE_H = 800.0
ALPHA = 0.25
BETA = 1.0 / 9.0
EPSILON = 1e-4
M = 16
ANN_F = 10
SC_NC = 2
SC_NS = 16
SC_CH = 128


def _sl1(pred, tgt):
    x = jnp.abs(pred - tgt)
    return jnp.where(x >= BETA, x - 0.5 * BETA, (0.5 / BETA) * (x * x))


def _match_krn(ann_ref, anc_ref, reg_ref, w_ref, lbl_ref, ms_ref, acc_ref,
               *, rb, mb, b_total):
    b = pl.program_id(0)
    j = pl.program_id(1)

    @pl.when(j == 0)
    def _init():
        acc_ref[b, 0] = 0.0
        acc_ref[b, 1] = 0.0

    ann = [[ann_ref[0, 0, m * ANN_F + k] for k in range(ANN_F)]
           for m in range(M)]

    def body(i, carry):
        rs, ps = carry
        sl = pl.ds(i * 8, 8)
        x1 = anc_ref[0, 0, sl, :]
        y1 = anc_ref[0, 1, sl, :]
        x2 = anc_ref[0, 2, sl, :]
        y2 = anc_ref[0, 3, sl, :]

        keep = (x1 > 0.0) & (y1 > 0.0) & (x2 < IMAGE_W) & (y2 < IMAGE_H)
        aw = x2 - x1
        ah = y2 - y1
        area_a = aw * ah
        acx = x1 + 0.5 * aw
        acy = y1 + 0.5 * ah

        ib = db = mlb = mgcx = mgcy = mlgw = mlgh = None
        for m in range(M):
            gx1, gy1, gx2, gy2, glb, gar, gcx, gcy, glw, glh = ann[m]
            iw = jnp.maximum(jnp.minimum(x2, gx2) - jnp.maximum(x1, gx1), 0.0)
            ih = jnp.maximum(jnp.minimum(y2, gy2) - jnp.maximum(y1, gy1), 0.0)
            inter = iw * ih
            denom = area_a + (gar - inter)
            if m == 0:
                ib = inter
                db = denom
                zero = jnp.zeros_like(x1)
                mlb = zero + glb
                mgcx = zero + gcx
                mgcy = zero + gcy
                mlgw = zero + glw
                mlgh = zero + glh
            else:
                upd = inter * db > ib * denom
                ib = jnp.where(upd, inter, ib)
                db = jnp.where(upd, denom, db)
                mlb = jnp.where(upd, glb, mlb)
                mgcx = jnp.where(upd, gcx, mgcx)
                mgcy = jnp.where(upd, gcy, mgcy)
                mlgw = jnp.where(upd, glw, mlgw)
                mlgh = jnp.where(upd, glh, mlgh)

        pos = keep & (ib > 0.5 * db)
        valid = keep & ((ib < 0.4 * db) | (ib > 0.5 * db))
        w_ref[0, sl, :] = jnp.where(valid, 1.0 - ALPHA, 0.0)
        lbl_ref[0, sl, :] = jnp.where(pos, mlb, -1.0).astype(jnp.int32)

        tx = ((mgcx - acx) / aw) * 10.0
        ty = ((mgcy - acy) / ah) * 10.0
        tw = (mlgw - jnp.log(aw)) * 5.0
        th = (mlgh - jnp.log(ah)) * 5.0
        per_reg = (_sl1(reg_ref[0, 0, sl, :], tx)
                   + _sl1(reg_ref[0, 1, sl, :], ty)
                   + _sl1(reg_ref[0, 2, sl, :], tw)
                   + _sl1(reg_ref[0, 3, sl, :], th)) * 0.25
        rs = rs + jnp.where(pos, per_reg, 0.0)
        ps = ps + jnp.where(pos, 1.0, 0.0)
        return rs, ps

    z = jnp.zeros((8, 128), jnp.float32)
    rs, ps = jax.lax.fori_loop(0, rb // 8, body, (z, z))
    acc_ref[b, 0] += jnp.sum(rs)
    acc_ref[b, 1] += jnp.sum(ps)

    @pl.when(j == mb - 1)
    def _flush():
        ms_ref[b, 0] = acc_ref[b, 0]
        ms_ref[b, 1] = acc_ref[b, 1]


def _dense_krn(cls_ref, w_ref, cacc_ref, acc_ref,
               *, blk, nb_total, num_classes):
    b = pl.program_id(0)
    nb = pl.program_id(1)

    @pl.when(nb == 0)
    def _init():
        acc_ref[...] = jnp.zeros_like(acc_ref)

    cls = cls_ref[0]
    wrow = w_ref[0, 0]

    p = jnp.where(cls > EPSILON, cls, EPSILON)
    p = jnp.where(p < 1.0 - EPSILON, p, 1.0 - EPSILON)
    f_neg = (p * p) * (-jnp.log(1.0 - p))

    part = jax.lax.dot_general(
        wrow, f_neg, (((1,), (0,)), ((), ())),
        preferred_element_type=jnp.float32)
    acc_ref[0:1, 0:num_classes] += part

    @pl.when(nb == nb_total - 1)
    def _flush():
        cacc_ref[b] = jnp.sum(acc_ref[0:1, 0:num_classes])


def _corr_krn(ms_ref, cd_ref, lbl_ref, pat_ref, out_ref, acc_ref,
              *, rb, mb, b_total):
    b = pl.program_id(0)
    j = pl.program_id(1)

    @pl.when(j == 0)
    def _init():
        acc_ref[b] = 0.0

    def body(i, cs):
        sl = pl.ds(i * 8, 8)
        lbl = lbl_ref[0, sl, :]
        q = pat_ref[0, sl, :]
        q = jnp.where(q > EPSILON, q, EPSILON)
        q = jnp.where(q < 1.0 - EPSILON, q, 1.0 - EPSILON)
        omq = 1.0 - q
        f_pos = (ALPHA * (omq * omq)) * (-jnp.log(q))
        f_neg = ((1.0 - ALPHA) * (q * q)) * (-jnp.log(omq))
        return cs + jnp.where(lbl >= 0, f_pos - f_neg, 0.0)

    cs = jax.lax.fori_loop(0, rb // 8, body, jnp.zeros((8, 128), jnp.float32))
    acc_ref[b] += jnp.sum(cs)

    @pl.when(jnp.logical_and(b == b_total - 1, j == mb - 1))
    def _final():
        cls_tot = 0.0
        reg_tot = 0.0
        val_tot = 0.0
        for bb in range(b_total):
            pn = ms_ref[bb, 1]
            denom = jnp.maximum(pn, 1.0)
            vi = jnp.where(pn > 0.0, 1.0, 0.0)
            cls_tot += (cd_ref[bb] + acc_ref[bb]) / denom * vi
            reg_tot += ms_ref[bb, 0] / denom * vi
            val_tot += vi
        vn = jnp.maximum(val_tot, 1.0)
        out_ref[0] = cls_tot / vn
        out_ref[1] = reg_tot / vn


def _sc_gather(tbl_ref, idx_ref, out_ref, idx_v, val_v, sem, *, nch):
    wid = jax.lax.axis_index("s") * SC_NC + jax.lax.axis_index("c")
    pltpu.sync_copy(idx_ref.at[wid], idx_v)

    def issue(i, c):
        pltpu.async_copy(tbl_ref.at[idx_v.at[i]], val_v.at[i], sem)
        return c

    jax.lax.fori_loop(0, nch, issue, 0)
    pltpu.make_async_copy(out_ref.at[wid], val_v, sem).wait()
    pltpu.sync_copy(val_v, out_ref.at[wid])


def _impl(cls_heads, reg_heads, batch_anchors, annotations, interpret):
    b_total, n, num_classes = cls_heads.shape
    blk = 2048
    nb_total = pl.cdiv(n, blk)
    np_pad = nb_total * blk
    nr = np_pad // 128
    mb = 4 if (nr % 4 == 0 and (nr // 4) % 8 == 0) else 1
    rb = nr // mb

    g = annotations[..., :4]
    glb = annotations[..., 4]
    vg = glb >= 0.0
    gx1 = jnp.where(vg, g[..., 0], 0.0)
    gy1 = jnp.where(vg, g[..., 1], 0.0)
    gx2 = jnp.where(vg, g[..., 2], 0.0)
    gy2 = jnp.where(vg, g[..., 3], 0.0)
    gar = jnp.where(vg, (gx2 - gx1) * (gy2 - gy1), 1.0)
    gw = jnp.maximum(gx2 - gx1, 1.0)
    gh = jnp.maximum(gy2 - gy1, 1.0)
    ann_s = jnp.stack(
        [gx1, gy1, gx2, gy2, glb, gar,
         gx1 + 0.5 * gw, gy1 + 0.5 * gh, jnp.log(gw), jnp.log(gh)],
        axis=2).reshape(b_total, 1, M * ANN_F)

    pad = np_pad - n
    anc_t = jnp.pad(jnp.transpose(batch_anchors, (0, 2, 1)),
                    ((0, 0), (0, 0), (0, pad))).reshape(b_total, 4, nr, 128)
    reg_t = jnp.pad(jnp.transpose(reg_heads, (0, 2, 1)),
                    ((0, 0), (0, 0), (0, pad))).reshape(b_total, 4, nr, 128)

    w_arr, lbl_arr, msums = pl.pallas_call(
        functools.partial(_match_krn, rb=rb, mb=mb, b_total=b_total),
        grid=(b_total, mb),
        in_specs=[
            pl.BlockSpec((1, 1, M * ANN_F), lambda b, j: (b, 0, 0),
                         memory_space=pltpu.SMEM),
            pl.BlockSpec((1, 4, rb, 128), lambda b, j: (b, 0, j, 0)),
            pl.BlockSpec((1, 4, rb, 128), lambda b, j: (b, 0, j, 0)),
        ],
        out_specs=[
            pl.BlockSpec((1, rb, 128), lambda b, j: (b, j, 0)),
            pl.BlockSpec((1, rb, 128), lambda b, j: (b, j, 0)),
            pl.BlockSpec(memory_space=pltpu.SMEM),
        ],
        out_shape=[
            jax.ShapeDtypeStruct((b_total, nr, 128), jnp.float32),
            jax.ShapeDtypeStruct((b_total, nr, 128), jnp.int32),
            jax.ShapeDtypeStruct((b_total, 2), jnp.float32),
        ],
        scratch_shapes=[pltpu.SMEM((b_total, 2), jnp.float32)],
        interpret=interpret,
    )(ann_s, anc_t, reg_t)

    w_rows = w_arr.reshape(b_total, nb_total, 1, blk)
    cdense = pl.pallas_call(
        functools.partial(_dense_krn, blk=blk, nb_total=nb_total,
                          num_classes=num_classes),
        grid=(b_total, nb_total),
        in_specs=[
            pl.BlockSpec((1, blk, num_classes), lambda b, nb: (b, nb, 0)),
            pl.BlockSpec((1, 1, 1, blk), lambda b, nb: (b, nb, 0, 0)),
        ],
        out_specs=pl.BlockSpec(memory_space=pltpu.SMEM),
        out_shape=jax.ShapeDtypeStruct((b_total,), jnp.float32),
        scratch_shapes=[pltpu.VMEM((8, 128), jnp.float32)],
        interpret=interpret,
    )(cls_heads, w_rows)

    nw = SC_NC * SC_NS
    total = b_total * np_pad
    nch = pl.cdiv(total, nw * SC_CH)
    ktot = nw * nch * SC_CH
    b_iota = jax.lax.broadcasted_iota(jnp.int32, (b_total, np_pad), 0)
    n_iota = jax.lax.broadcasted_iota(jnp.int32, (b_total, np_pad), 1)
    n_eff = jnp.minimum(n_iota, n - 1)
    lbl_eff = jnp.maximum(lbl_arr.reshape(b_total, np_pad), 0)
    idx = (b_iota * n + n_eff) * num_classes + lbl_eff
    idx = jnp.pad(idx.reshape(-1), (0, ktot - total)).reshape(nw, nch, SC_CH)
    cls_flat = cls_heads.reshape(-1)

    gather = functools.partial(
        pl.kernel,
        out_type=jax.ShapeDtypeStruct((nw, nch, SC_CH), jnp.float32),
        mesh=plsc.VectorSubcoreMesh(core_axis_name="c", subcore_axis_name="s",
                                    num_cores=SC_NC, num_subcores=SC_NS),
        scratch_types=[pltpu.VMEM((nch, SC_CH), jnp.int32),
                       pltpu.VMEM((nch, SC_CH), jnp.float32),
                       pltpu.SemaphoreType.DMA],
    )(functools.partial(_sc_gather, nch=nch))
    p_at = gather(cls_flat, idx)
    p_at = p_at.reshape(-1)[:total].reshape(b_total, nr, 128)

    out = pl.pallas_call(
        functools.partial(_corr_krn, rb=rb, mb=mb, b_total=b_total),
        grid=(b_total, mb),
        in_specs=[
            pl.BlockSpec(memory_space=pltpu.SMEM),
            pl.BlockSpec(memory_space=pltpu.SMEM),
            pl.BlockSpec((1, rb, 128), lambda b, j: (b, j, 0)),
            pl.BlockSpec((1, rb, 128), lambda b, j: (b, j, 0)),
        ],
        out_specs=pl.BlockSpec(memory_space=pltpu.SMEM),
        out_shape=jax.ShapeDtypeStruct((2,), jnp.float32),
        scratch_shapes=[pltpu.SMEM((b_total,), jnp.float32)],
        interpret=interpret,
    )(msums, cdense, lbl_arr, p_at)

    return (out[0], out[1])


def kernel(cls_heads, reg_heads, batch_anchors, annotations):
    return _impl(cls_heads, reg_heads, batch_anchors, annotations, False)

# --- scband reference (transcript-rebuilt; emitter-appended) ---
"""Pipeline reference for scband-retina-loss-37306085933328 (READ-ONLY COPY).

The authoritative reference and input builder live on the scoring server;
editing this copy changes nothing except your own understanding.
"""

import jax, jax.numpy as jnp
import numpy as np

IMAGE_W = 800.0
IMAGE_H = 800.0
ALPHA = 0.25
GAMMA = 2.0
BETA = 1.0 / 9.0
EPSILON = 1e-4
NUM_CLASSES = 80


def _build_anchors():
    all_a = []
    for stride, base in [(8, 32.0), (16, 64.0), (32, 128.0)]:
        fs = int(800 // stride)
        ys, xs = np.meshgrid(np.arange(fs), np.arange(fs), indexing='ij')
        cx = (xs.reshape(-1) + 0.5) * stride
        cy = (ys.reshape(-1) + 0.5) * stride
        for scale in [1.0, 2.0 ** (1.0 / 3.0), 2.0 ** (2.0 / 3.0)]:
            for ratio in [0.5, 1.0, 2.0]:
                s = base * scale
                w = s * np.sqrt(1.0 / ratio)
                h = s * np.sqrt(ratio)
                all_a.append(np.stack([cx - w / 2.0, cy - h / 2.0, cx + w / 2.0, cy + h / 2.0], axis=1))
    return np.concatenate(all_a, axis=0).astype(np.float32)


def setup_inputs():
    rng = np.random.RandomState(0)
    anchors = _build_anchors()
    N = anchors.shape[0]
    B, M, C = 2, 16, NUM_CLASSES
    batch_anchors = np.broadcast_to(anchors[None], (B, N, 4)).copy()
    cls_heads = rng.uniform(0.02, 0.98, size=(B, N, C)).astype(np.float32)
    reg_heads = (rng.randn(B, N, 4) * 0.1).astype(np.float32)
    x1 = rng.uniform(32.0, 660.0, size=(B, M))
    y1 = rng.uniform(32.0, 660.0, size=(B, M))
    ws = rng.uniform(30.0, 100.0, size=(B, M))
    hs = rng.uniform(30.0, 100.0, size=(B, M))
    labels = rng.randint(0, C, size=(B, M)).astype(np.float32)
    annotations = np.stack([x1, y1, x1 + ws, y1 + hs, labels], axis=2).astype(np.float32)
    return {'cls_heads': jnp.asarray(cls_heads), 'reg_heads': jnp.asarray(reg_heads), 'batch_anchors': jnp.asarray(batch_anchors), 'annotations': jnp.asarray(annotations)}


def _retina_loss(cls_heads, reg_heads, batch_anchors, annotations):
    B, N, C = cls_heads.shape
    a = batch_anchors
    # drop_out_border_anchors_and_heads, expressed as a keep-mask (dropped anchors
    # get gt class -1 below, so they contribute to neither loss -> same math)
    keep = (a[..., 0] > 0) & (a[..., 1] > 0) & (a[..., 2] < IMAGE_W) & (a[..., 3] < IMAGE_H)
    gt = annotations[..., :4]
    gt_label = annotations[..., 4]
    valid_gt = gt_label >= 0
    # vectorized IoU [B, N, M]
    ax1 = a[..., 0:1]; ay1 = a[..., 1:2]; ax2 = a[..., 2:3]; ay2 = a[..., 3:4]
    gx1 = gt[..., 0][:, None, :]; gy1 = gt[..., 1][:, None, :]
    gx2 = gt[..., 2][:, None, :]; gy2 = gt[..., 3][:, None, :]
    iw = jnp.clip(jnp.minimum(ax2, gx2) - jnp.maximum(ax1, gx1), 0.0)
    ih = jnp.clip(jnp.minimum(ay2, gy2) - jnp.maximum(ay1, gy1), 0.0)
    inter = iw * ih
    area_a = (ax2 - ax1) * (ay2 - ay1)
    area_g = (gx2 - gx1) * (gy2 - gy1)
    iou = inter / (area_a + area_g - inter)
    iou = jnp.where(valid_gt[:, None, :], iou, -1.0)
    overlap = jnp.max(iou, axis=2)
    idx = jnp.argmax(iou, axis=2)
    matched_gt = jnp.take_along_axis(gt, idx[..., None], axis=1)
    matched_label = jnp.take_along_axis(gt_label, idx, axis=1)
    # snap_annotations_as_tx_ty_tw_th
    anchors_wh = a[..., 2:4] - a[..., 0:2]
    anchors_ctr = a[..., 0:2] + 0.5 * anchors_wh
    gt_wh = jnp.clip(matched_gt[..., 2:4] - matched_gt[..., 0:2], 1.0)
    gt_ctr = matched_gt[..., 0:2] + 0.5 * gt_wh
    targets = jnp.concatenate([(gt_ctr - anchors_ctr) / anchors_wh, jnp.log(gt_wh / anchors_wh)], axis=-1)
    targets = targets / jnp.array([0.1, 0.1, 0.2, 0.2], dtype=jnp.float32)
    # gt class assignment
    gt_cls = jnp.full((B, N), -1.0, dtype=jnp.float32)
    gt_cls = jnp.where(overlap < 0.4, 0.0, gt_cls)
    gt_cls = jnp.where(overlap > 0.5, matched_label + 1.0, gt_cls)
    gt_cls = jnp.where(keep, gt_cls, -1.0)
    # focal loss
    p = jnp.clip(cls_heads, EPSILON, 1.0 - EPSILON)
    cls_valid = gt_cls >= 0.0
    pos = gt_cls > 0.0
    pos_num = jnp.sum(pos.astype(jnp.float32), axis=1)
    onehot = jax.nn.one_hot(jnp.clip(gt_cls, 0.0, float(C)).astype(jnp.int32), C + 1, dtype=jnp.float32)[..., 1:]
    alpha_f = jnp.where(onehot == 1.0, ALPHA, 1.0 - ALPHA)
    pt = jnp.where(onehot == 1.0, p, 1.0 - p)
    focal_w = alpha_f * jnp.power(1.0 - pt, GAMMA)
    bce = -(onehot * jnp.log(p) + (1.0 - onehot) * jnp.log(1.0 - p))
    per_anchor_cls = jnp.sum(focal_w * bce, axis=2)
    cls_loss_img = jnp.sum(jnp.where(cls_valid, per_anchor_cls, 0.0), axis=1) / jnp.maximum(pos_num, 1.0)
    # smooth l1 on positive anchors
    x = jnp.abs(reg_heads - targets)
    sl1 = jnp.where(x >= BETA, x - 0.5 * BETA, 0.5 * x * x / BETA)
    per_anchor_reg = jnp.mean(sl1, axis=2)
    reg_loss_img = jnp.sum(jnp.where(pos, per_anchor_reg, 0.0), axis=1) / jnp.maximum(pos_num, 1.0)
    valid_img = (pos_num > 0).astype(jnp.float32)
    valid_num = jnp.maximum(jnp.sum(valid_img), 1.0)
    cls_loss = jnp.sum(cls_loss_img * valid_img) / valid_num
    reg_loss = jnp.sum(reg_loss_img * valid_img) / valid_num
    return (cls_loss, reg_loss)


def reference(cls_heads, reg_heads, batch_anchors, annotations):
    return _retina_loss(cls_heads, reg_heads, batch_anchors, annotations)

if __name__ == "__main__":
    import jax
    _d = setup_inputs()
    print(jax.jit(kernel)(*tuple(_d.values())))

</pallas_src>

<mosaic_0001>
#map = affine_map<(d0, d1) -> (0)>
#map1 = affine_map<(d0, d1) -> (0, 0, 0)>
module attributes {stable_mosaic.version = 14 : i64} {
  func.func @_sc_gather(%arg0: i32, %arg1: i32, %arg2: memref<18900000xf32, #tpu.memory_space<hbm>>, %arg3: memref<32x58x128xi32, #tpu.memory_space<hbm>>, %arg4: memref<32x58x128xf32, #tpu.memory_space<hbm>>, %arg5: memref<58x128xi32, #tpu.memory_space<vmem>>, %arg6: memref<58x128xf32, #tpu.memory_space<vmem>>, %arg7: memref<!tpu.dma_semaphore, #tpu.memory_space<semaphore_mem>>) attributes {dimension_semantics = [#tpu.dimension_semantics<core_parallel>, #tpu.dimension_semantics<subcore_parallel>], iteration_bounds = array<i64: 2, 16>, scalar_prefetch = 0 : i64, scratch_operands = 3 : i64, tpu.core_type = #tpu.core_type<sc_vector_subcore>, window_params = [{transform_indices = #map}, {transform_indices = #map1}, {transform_indices = #map1}]} {
    %mul3A = arith.constant 2 : i32
    %mul3A_0 = arith.muli %arg1, %mul3A : i32
    %add3A = arith.addi %mul3A_0, %arg0 : i32
    "tpu.region"() ({
      %run_scoped3A = tpu.sem_alloc : memref<!tpu.dma_semaphore, #tpu.memory_space<semaphore_mem>>
      %dma_start3A = arith.constant 0 : i32
      %dma_start3A_13 = arith.constant 0 : i32
      %dma_start3A_14 = tpu.memref_slice %arg3[%add3A, %dma_start3A, %dma_start3A_13] : memref<32x58x128xi32, #tpu.memory_space<hbm>> -> memref<1x58x128xi32, #tpu.memory_space<hbm>>
      %dma_start3A_15 = tpu.memref_squeeze %dma_start3A_14 : memref<1x58x128xi32, #tpu.memory_space<hbm>> -> memref<58x128xi32, #tpu.memory_space<hbm>>
      %dma_start3A_16 = arith.constant 0 : i32
      %dma_start3A_17 = arith.constant 0 : i32
      %dma_start3A_18 = tpu.memref_slice %arg3[%add3A, %dma_start3A_16, %dma_start3A_17] : memref<32x58x128xi32, #tpu.memory_space<hbm>> -> memref<1x58x128xi32, #tpu.memory_space<hbm>>
      %dma_start3A_19 = tpu.memref_squeeze %dma_start3A_18 : memref<1x58x128xi32, #tpu.memory_space<hbm>> -> memref<58x128xi32, #tpu.memory_space<hbm>>
      tpu.enqueue_dma source(%dma_start3A_19 : memref<58x128xi32, #tpu.memory_space<hbm>>) target(%arg5 : memref<58x128xi32, #tpu.memory_space<vmem>>) target_semaphore(%run_scoped3A : memref<!tpu.dma_semaphore, #tpu.memory_space<semaphore_mem>>)
      %dma_wait3A_20 = arith.constant 0 : i32
      %dma_wait3A_21 = arith.constant 0 : i32
      %dma_wait3A_22 = tpu.memref_slice %arg3[%add3A, %dma_wait3A_20, %dma_wait3A_21] : memref<32x58x128xi32, #tpu.memory_space<hbm>> -> memref<1x58x128xi32, #tpu.memory_space<hbm>>
      %dma_wait3A_23 = tpu.memref_squeeze %dma_wait3A_22 : memref<1x58x128xi32, #tpu.memory_space<hbm>> -> memref<58x128xi32, #tpu.memory_space<hbm>>
      %dma_wait3A_24 = arith.constant 0 : i32
      %dma_wait3A_25 = arith.constant 0 : i32
      %dma_wait3A_26 = tpu.memref_slice %arg3[%add3A, %dma_wait3A_24, %dma_wait3A_25] : memref<32x58x128xi32, #tpu.memory_space<hbm>> -> memref<1x58x128xi32, #tpu.memory_space<hbm>>
      %dma_wait3A_27 = tpu.memref_squeeze %dma_wait3A_26 : memref<1x58x128xi32, #tpu.memory_space<hbm>> -> memref<58x128xi32, #tpu.memory_space<hbm>>
      tpu.wait_dma2 semaphore(%run_scoped3A : memref<!tpu.dma_semaphore, #tpu.memory_space<semaphore_mem>>) src(%dma_wait3A_27 : memref<58x128xi32, #tpu.memory_space<hbm>>) dst(%arg5 : memref<58x128xi32, #tpu.memory_space<vmem>>)
      tpu.yield
    }) : () -> ()
    %scan3A = arith.constant 0 : i32
    %scan3A_1 = arith.constant 0 : i32
    %scan3A_2 = arith.constant 58 : i32
    %scan3A_3 = arith.addi %scan3A_1, %scan3A_2 : i32
    %scan3A_4 = arith.constant 1 : i32
    scf.for %scan3A_13 = %scan3A_1 to %scan3A_3 step %scan3A_4  : i32 {
      %dma_start3A = arith.constant 0 : i32
      %dma_start3A_14 = tpu.memref_slice %arg6[%scan3A_13, %dma_start3A] : memref<58x128xf32, #tpu.memory_space<vmem>> -> memref<1x128xf32, #tpu.memory_space<vmem>>
      %dma_start3A_15 = tpu.memref_squeeze %dma_start3A_14 : memref<1x128xf32, #tpu.memory_space<vmem>> -> memref<128xf32, #tpu.memory_space<vmem>>
      %dma_start3A_16 = arith.constant 0 : i32
      %dma_start3A_17 = tpu.memref_slice %arg5[%scan3A_13, %dma_start3A_16] : memref<58x128xi32, #tpu.memory_space<vmem>> -> memref<1x128xi32, #tpu.memory_space<vmem>>
      %dma_start3A_18 = tpu.memref_squeeze %dma_start3A_17 : memref<1x128xi32, #tpu.memory_space<vmem>> -> memref<128xi32, #tpu.memory_space<vmem>>
      %dma_start3A_19 = arith.constant 0 : i32
      %dma_start3A_20 = tpu.memref_slice %arg2[%dma_start3A_19] : memref<18900000xf32, #tpu.memory_space<hbm>> -> memref<18900000xf32, #tpu.memory_space<hbm>>
      tpu.enqueue_indirect_dma source(%dma_start3A_20 : memref<18900000xf32, #tpu.memory_space<hbm>>) target(%dma_start3A_15 : memref<128xf32, #tpu.memory_space<vmem>>) offsets(%dma_start3A_18 : memref<128xi32, #tpu.memory_space<vmem>>) semaphore(%arg7 : memref<!tpu.dma_semaphore, #tpu.memory_space<semaphore_mem>>)
    }
    %scan3A_5 = arith.constant 58 : i32
    %dma_wait3A = arith.constant 0 : i32
    %dma_wait3A_6 = arith.constant 0 : i32
    %dma_wait3A_7 = tpu.memref_slice %arg4[%add3A, %dma_wait3A, %dma_wait3A_6] : memref<32x58x128xf32, #tpu.memory_space<hbm>> -> memref<1x58x128xf32, #tpu.memory_space<hbm>>
    %dma_wait3A_8 = tpu.memref_squeeze %dma_wait3A_7 : memref<1x58x128xf32, #tpu.memory_space<hbm>> -> memref<58x128xf32, #tpu.memory_space<hbm>>
    %dma_wait3A_9 = arith.constant 0 : i32
    %dma_wait3A_10 = arith.constant 0 : i32
    %dma_wait3A_11 = tpu.memref_slice %arg4[%add3A, %dma_wait3A_9, %dma_wait3A_10] : memref<32x58x128xf32, #tpu.memory_space<hbm>> -> memref<1x58x128xf32, #tpu.memory_space<hbm>>
    %dma_wait3A_12 = tpu.memref_squeeze %dma_wait3A_11 : memref<1x58x128xf32, #tpu.memory_space<hbm>> -> memref<58x128xf32, #tpu.memory_space<hbm>>
    tpu.wait_dma2 semaphore(%arg7 : memref<!tpu.dma_semaphore, #tpu.memory_space<semaphore_mem>>) src(%dma_wait3A_12 : memref<58x128xf32, #tpu.memory_space<hbm>>) dst(%arg6 : memref<58x128xf32, #tpu.memory_space<vmem>>)
    "tpu.region"() ({
      %run_scoped3A = tpu.sem_alloc : memref<!tpu.dma_semaphore, #tpu.memory_space<semaphore_mem>>
      %dma_start3A = arith.constant 0 : i32
      %dma_start3A_13 = arith.constant 0 : i32
      %dma_start3A_14 = tpu.memref_slice %arg4[%add3A, %dma_start3A, %dma_start3A_13] : memref<32x58x128xf32, #tpu.memory_space<hbm>> -> memref<1x58x128xf32, #tpu.memory_space<hbm>>
      %dma_start3A_15 = tpu.memref_squeeze %dma_start3A_14 : memref<1x58x128xf32, #tpu.memory_space<hbm>> -> memref<58x128xf32, #tpu.memory_space<hbm>>
      %dma_start3A_16 = arith.constant 0 : i32
      %dma_start3A_17 = arith.constant 0 : i32
      %dma_start3A_18 = tpu.memref_slice %arg4[%add3A, %dma_start3A_16, %dma_start3A_17] : memref<32x58x128xf32, #tpu.memory_space<hbm>> -> memref<1x58x128xf32, #tpu.memory_space<hbm>>
      %dma_start3A_19 = tpu.memref_squeeze %dma_start3A_18 : memref<1x58x128xf32, #tpu.memory_space<hbm>> -> memref<58x128xf32, #tpu.memory_space<hbm>>
      tpu.enqueue_dma source(%arg6 : memref<58x128xf32, #tpu.memory_space<vmem>>) target(%dma_start3A_19 : memref<58x128xf32, #tpu.memory_space<hbm>>) target_semaphore(%run_scoped3A : memref<!tpu.dma_semaphore, #tpu.memory_space<semaphore_mem>>)
      %dma_wait3A_20 = arith.constant 0 : i32
      %dma_wait3A_21 = arith.constant 0 : i32
      %dma_wait3A_22 = tpu.memref_slice %arg4[%add3A, %dma_wait3A_20, %dma_wait3A_21] : memref<32x58x128xf32, #tpu.memory_space<hbm>> -> memref<1x58x128xf32, #tpu.memory_space<hbm>>
      %dma_wait3A_23 = tpu.memref_squeeze %dma_wait3A_22 : memref<1x58x128xf32, #tpu.memory_space<hbm>> -> memref<58x128xf32, #tpu.memory_space<hbm>>
      %dma_wait3A_24 = arith.constant 0 : i32
      %dma_wait3A_25 = arith.constant 0 : i32
      %dma_wait3A_26 = tpu.memref_slice %arg4[%add3A, %dma_wait3A_24, %dma_wait3A_25] : memref<32x58x128xf32, #tpu.memory_space<hbm>> -> memref<1x58x128xf32, #tpu.memory_space<hbm>>
      %dma_wait3A_27 = tpu.memref_squeeze %dma_wait3A_26 : memref<1x58x128xf32, #tpu.memory_space<hbm>> -> memref<58x128xf32, #tpu.memory_space<hbm>>
      tpu.wait_dma2 semaphore(%run_scoped3A : memref<!tpu.dma_semaphore, #tpu.memory_space<semaphore_mem>>) src(%arg6 : memref<58x128xf32, #tpu.memory_space<vmem>>) dst(%dma_wait3A_27 : memref<58x128xf32, #tpu.memory_space<hbm>>)
      tpu.yield
    }) : () -> ()
    return
  }
}

module attributes {stable_mosaic.version = 14 : i64} {
  func.func @_match_krn(%arg0: i32, %arg1: i32, %arg2: memref<1x1x160xf32, #tpu.memory_space<smem>>, %arg3: memref<1x4x232x128xf32, #tpu.memory_space<vmem>>, %arg4: memref<1x4x232x128xf32, #tpu.memory_space<vmem>>, %arg5: memref<1x232x128xf32, #tpu.memory_space<vmem>>, %arg6: memref<1x232x128xi32, #tpu.memory_space<vmem>>, %arg7: memref<2x2xf32, #tpu.memory_space<smem>>, %arg8: memref<2x2xf32, #tpu.memory_space<smem>>) attributes {dimension_semantics = [#tpu.dimension_semantics<arbitrary>, #tpu.dimension_semantics<arbitrary>], iteration_bounds = array<i64: 2, 4>, scalar_prefetch = 0 : i64, scratch_operands = 1 : i64, tpu.core_type = #tpu.core_type<tc>, window_params = [{transform_indices = @transform_0, window_bounds = array<i64: 1, 1, 160>}, {transform_indices = @transform_1, window_bounds = array<i64: 1, 4, 232, 128>}, {transform_indices = @transform_2, window_bounds = array<i64: 1, 4, 232, 128>}, {transform_indices = @transform_3, window_bounds = array<i64: 1, 232, 128>}, {transform_indices = @transform_4, window_bounds = array<i64: 1, 232, 128>}, {transform_indices = @transform_5, window_bounds = array<i64: 2, 2>}]} {
    %eq3A = arith.constant 0 : i32
    %eq3A_0 = arith.cmpi eq, %arg1, %eq3A : i32
    %convert_element_type3A = arith.extui %eq3A_0 : i1 to i32
    %cond3A = arith.constant 0 : i32
    %cond3A_1 = arith.cmpi ne, %convert_element_type3A, %cond3A : i32
    scf.if %cond3A_1 {
      %swap3A_673 = arith.constant 0.000000e+00 : f32
      %swap3A_674 = arith.index_cast %arg0 : i32 to index
      %swap3A_675 = arith.constant 0 : index
      %swap3A_676 = memref.load %arg8[%swap3A_674, %swap3A_675] : memref<2x2xf32, #tpu.memory_space<smem>>
      memref.store %swap3A_673, %arg8[%swap3A_674, %swap3A_675] : memref<2x2xf32, #tpu.memory_space<smem>>
      %swap3A_677 = arith.constant 0.000000e+00 : f32
      %swap3A_678 = arith.index_cast %arg0 : i32 to index
      %swap3A_679 = arith.constant 1 : index
      %swap3A_680 = memref.load %arg8[%swap3A_678, %swap3A_679] : memref<2x2xf32, #tpu.memory_space<smem>>
      memref.store %swap3A_677, %arg8[%swap3A_678, %swap3A_679] : memref<2x2xf32, #tpu.memory_space<smem>>
    } else {
    }
    %get3A = arith.constant 0 : index
    %get3A_2 = arith.constant 0 : index
    %get3A_3 = arith.constant 0 : index
    %get3A_4 = memref.load %arg2[%get3A, %get3A_2, %get3A_3] : memref<1x1x160xf32, #tpu.memory_space<smem>>
    %get3A_5 = arith.constant 0 : index
    %get3A_6 = arith.constant 0 : index
    %get3A_7 = arith.constant 1 : index
    %get3A_8 = memref.load %arg2[%get3A_5, %get3A_6, %get3A_7] : memref<1x1x160xf32, #tpu.memory_space<smem>>
    %get3A_9 = arith.constant 0 : index
    %get3A_10 = arith.constant 0 : index
    %get3A_11 = arith.constant 2 : index
    %get3A_12 = memref.load %arg2[%get3A_9, %get3A_10, %get3A_11] : memref<1x1x160xf32, #tpu.memory_space<smem>>
    %get3A_13 = arith.constant 0 : index
    %get3A_14 = arith.constant 0 : index
    %get3A_15 = arith.constant 3 : index
    %get3A_16 = memref.load %arg2[%get3A_13, %get3A_14, %get3A_15] : memref<1x1x160xf32, #tpu.memory_space<smem>>
    %get3A_17 = arith.constant 0 : index
    %get3A_18 = arith.constant 0 : index
    %get3A_19 = arith.constant 4 : index
    %get3A_20 = memref.load %arg2[%get3A_17, %get3A_18, %get3A_19] : memref<1x1x160xf32, #tpu.memory_space<smem>>
    %get3A_21 = arith.constant 0 : index
    %get3A_22 = arith.constant 0 : index
    %get3A_23 = arith.constant 5 : index
    %get3A_24 = memref.load %arg2[%get3A_21, %get3A_22, %get3A_23] : memref<1x1x160xf32, #tpu.memory_space<smem>>
    %get3A_25 = arith.constant 0 : index
    %get3A_26 = arith.constant 0 : index
    %get3A_27 = arith.constant 6 : index
    %get3A_28 = memref.load %arg2[%get3A_25, %get3A_26, %get3A_27] : memref<1x1x160xf32, #tpu.memory_space<smem>>
    %get3A_29 = arith.constant 0 : index
    %get3A_30 = arith.constant 0 : index
    %get3A_31 = arith.constant 7 : index
    %get3A_32 = memref.load %arg2[%get3A_29, %get3A_30, %get3A_31] : memref<1x1x160xf32, #tpu.memory_space<smem>>
    %get3A_33 = arith.constant 0 : index
    %get3A_34 = arith.constant 0 : index
    %get3A_35 = arith.constant 8 : index
    %get3A_36 = memref.load %arg2[%get3A_33, %get3A_34, %get3A_35] : memref<1x1x160xf32, #tpu.memory_space<smem>>
    %get3A_37 = arith.constant 0 : index
    %get3A_38 = arith.constant 0 : index
    %get3A_39 = arith.constant 9 : index
    %get3A_40 = memref.load %arg2[%get3A_37, %get3A_38, %get3A_39] : memref<1x1x160xf32, #tpu.memory_space<smem>>
    %get3A_41 = arith.constant 0 : index
    %get3A_42 = arith.constant 0 : index
    %get3A_43 = arith.constant 10 : index
    %get3A_44 = memref.load %arg2[%get3A_41, %get3A_42, %get3A_43] : memref<1x1x160xf32, #tpu.memory_space<smem>>
    %get3A_45 = arith.constant 0 : index
    %get3A_46 = arith.constant 0 : index
    %get3A_47 = arith.constant 11 : index
    %get3A_48 = memref.load %arg2[%get3A_45, %get3A_46, %get3A_47] : memref<1x1x160xf32, #tpu.memory_space<smem>>
    %get3A_49 = arith.constant 0 : index
    %get3A_50 = arith.constant 0 : index
    %get3A_51 = arith.constant 12 : index
    %get3A_52 = memref.load %arg2[%get3A_49, %get3A_50, %get3A_51] : memref<1x1x160xf32, #tpu.memory_space<smem>>
    %get3A_53 = arith.constant 0 : index
    %get3A_54 = arith.constant 0 : index
    %get3A_55 = arith.constant 13 : index
    %get3A_56 = memref.load %arg2[%get3A_53, %get3A_54, %get3A_55] : memref<1x1x160xf32, #tpu.memory_space<smem>>
    %get3A_57 = arith.constant 0 : index
    %get3A_58 = arith.constant 0 : index
    %get3A_59 = arith.constant 14 : index
    %get3A_60 = memref.load %arg2[%get3A_57, %get3A_58, %get3A_59] : memref<1x1x160xf32, #tpu.memory_space<smem>>
    %get3A_61 = arith.constant 0 : index
    %get3A_62 = arith.constant 0 : index
    %get3A_63 = arith.constant 15 : index
    %get3A_64 = memref.load %arg2[%get3A_61, %get3A_62, %get3A_63] : memref<1x1x160xf32, #tpu.memory_space<smem>>
    %get3A_65 = arith.constant 0 : index
    %get3A_66 = arith.constant 0 : index
    %get3A_67 = arith.constant 16 : index
    %get3A_68 = memref.load %arg2[%get3A_65, %get3A_66, %get3A_67] : memref<1x1x160xf32, #tpu.memory_space<smem>>
    %get3A_69 = arith.constant 0 : index
    %get3A_70 = arith.constant 0 : index
    %get3A_71 = arith.constant 17 : index
    %get3A_72 = memref.load %arg2[%get3A_69, %get3A_70, %get3A_71] : memref<1x1x160xf32, #tpu.memory_space<smem>>
    %get3A_73 = arith.constant 0 : index
    %get3A_74 = arith.constant 0 : index
    %get3A_75 = arith.constant 18 : index
    %get3A_76 = memref.load %arg2[%get3A_73, %get3A_74, %get3A_75] : memref<1x1x160xf32, #tpu.memory_space<smem>>
    %get3A_77 = arith.constant 0 : index
    %get3A_78 = arith.constant 0 : index
    %get3A_79 = arith.constant 19 : index
    %get3A_80 = memref.load %arg2[%get3A_77, %get3A_78, %get3A_79] : memref<1x1x160xf32, #tpu.memory_space<smem>>
    %get3A_81 = arith.constant 0 : index
    %get3A_82 = arith.constant 0 : index
    %get3A_83 = arith.constant 20 : index
    %get3A_84 = memref.load %arg2[%get3A_81, %get3A_82, %get3A_83] : memref<1x1x160xf32, #tpu.memory_space<smem>>
    %get3A_85 = arith.constant 0 : index
    %get3A_86 = arith.constant 0 : index
    %get3A_87 = arith.constant 21 : index
    %get3A_88 = memref.load %arg2[%get3A_85, %get3A_86, %get3A_87] : memref<1x1x160xf32, #tpu.memory_space<smem>>
    %get3A_89 = arith.constant 0 : index
    %get3A_90 = arith.constant 0 : index
    %get3A_91 = arith.constant 22 : index
    %get3A_92 = memref.load %arg2[%get3A_89, %get3A_90, %get3A_91] : memref<1x1x160xf32, #tpu.memory_space<smem>>
    %get3A_93 = arith.constant 0 : index
    %get3A_94 = arith.constant 0 : index
    %get3A_95 = arith.constant 23 : index
    %get3A_96 = memref.load %arg2[%get3A_93, %get3A_94, %get3A_95] : memref<1x1x160xf32, #tpu.memory_space<smem>>
    %get3A_97 = arith.constant 0 : index
    %get3A_98 = arith.constant 0 : index
    %get3A_99 = arith.constant 24 : index
    %get3A_100 = memref.load %arg2[%get3A_97, %get3A_98, %get3A_99] : memref<1x1x160xf32, #tpu.memory_space<smem>>
    %get3A_101 = arith.constant 0 : index
    %get3A_102 = arith.constant 0 : index
    %get3A_103 = arith.constant 25 : index
    %get3A_104 = memref.load %arg2[%get3A_101, %get3A_102, %get3A_103] : memref<1x1x160xf32, #tpu.memory_space<smem>>
    %get3A_105 = arith.constant 0 : index
    %get3A_106 = arith.constant 0 : index
    %get3A_107 = arith.constant 26 : index
    %get3A_108 = memref.load %arg2[%get3A_105, %get3A_106, %get3A_107] : memref<1x1x160xf32, #tpu.memory_space<smem>>
    %get3A_109 = arith.constant 0 : index
    %get3A_110 = arith.constant 0 : index
    %get3A_111 = arith.constant 27 : index
    %get3A_112 = memref.load %arg2[%get3A_109, %get3A_110, %get3A_111] : memref<1x1x160xf32, #tpu.memory_space<smem>>
    %get3A_113 = arith.constant 0 : index
    %get3A_114 = arith.constant 0 : index
    %get3A_115 = arith.constant 28 : index
    %get3A_116 = memref.load %arg2[%get3A_113, %get3A_114, %get3A_115] : memref<1x1x160xf32, #tpu.memory_space<smem>>
    %get3A_117 = arith.constant 0 : index
    %get3A_118 = arith.constant 0 : index
    %get3A_119 = arith.constant 29 : index
    %get3A_120 = memref.load %arg2[%get3A_117, %get3A_118, %get3A_119] : memref<1x1x160xf32, #tpu.memory_space<smem>>
    %get3A_121 = arith.constant 0 : index
    %get3A_122 = arith.constant 0 : index
    %get3A_123 = arith.constant 30 : index
    %get3A_124 = memref.load %arg2[%get3A_121, %get3A_122, %get3A_123] : memref<1x1x160xf32, #tpu.memory_space<smem>>
    %get3A_125 = arith.constant 0 : index
    %get3A_126 = arith.constant 0 : index
    %get3A_127 = arith.constant 31 : index
    %get3A_128 = memref.load %arg2[%get3A_125, %get3A_126, %get3A_127] : memref<1x1x160xf32, #tpu.memory_space<smem>>
    %get3A_129 = arith.constant 0 : index
    %get3A_130 = arith.constant 0 : index
    %get3A_131 = arith.constant 32 : index
    %get3A_132 = memref.load %arg2[%get3A_129, %get3A_130, %get3A_131] : memref<1x1x160xf32, #tpu.memory_space<smem>>
    %get3A_133 = arith.constant 0 : index
    %get3A_134 = arith.constant 0 : index
    %get3A_135 = arith.constant 33 : index
    %get3A_136 = memref.load %arg2[%get3A_133, %get3A_134, %get3A_135] : memref<1x1x160xf32, #tpu.memory_space<smem>>
    %get3A_137 = arith.constant 0 : index
    %get3A_138 = arith.constant 0 : index
    %get3A_139 = arith.constant 34 : index
    %get3A_140 = memref.load %arg2[%get3A_137, %get3A_138, %get3A_139] : memref<1x1x160xf32, #tpu.memory_space<smem>>
    %get3A_141 = arith.constant 0 : index
    %get3A_142 = arith.constant 0 : index
    %get3A_143 = arith.constant 35 : index
    %get3A_144 = memref.load %arg2[%get3A_141, %get3A_142, %get3A_143] : memref<1x1x160xf32, #tpu.memory_space<smem>>
    %get3A_145 = arith.constant 0 : index
    %get3A_146 = arith.constant 0 : index
    %get3A_147 = arith.constant 36 : index
    %get3A_148 = memref.load %arg2[%get3A_145, %get3A_146, %get3A_147] : memref<1x1x160xf32, #tpu.memory_space<smem>>
    %get3A_149 = arith.constant 0 : index
    %get3A_150 = arith.constant 0 : index
    %get3A_151 = arith.constant 37 : index
    %get3A_152 = memref.load %arg2[%get3A_149, %get3A_150, %get3A_151] : memref<1x1x160xf32, #tpu.memory_space<smem>>
    %get3A_153 = arith.constant 0 : index
    %get3A_154 = arith.constant 0 : index
    %get3A_155 = arith.constant 38 : index
    %get3A_156 = memref.load %arg2[%get3A_153, %get3A_154, %get3A_155] : memref<1x1x160xf32, #tpu.memory_space<smem>>
    %get3A_157 = arith.constant 0 : index
    %get3A_158 = arith.constant 0 : index
    %get3A_159 = arith.constant 39 : index
    %get3A_160 = memref.load %arg2[%get3A_157, %get3A_158, %get3A_159] : memref<1x1x160xf32, #tpu.memory_space<smem>>
    %get3A_161 = arith.constant 0 : index
    %get3A_162 = arith.constant 0 : index
    %get3A_163 = arith.constant 40 : index
    %get3A_164 = memref.load %arg2[%get3A_161, %get3A_162, %get3A_163] : memref<1x1x160xf32, #tpu.memory_space<smem>>
    %get3A_165 = arith.constant 0 : index
    %get3A_166 = arith.constant 0 : index
    %get3A_167 = arith.constant 41 : index
    %get3A_168 = memref.load %arg2[%get3A_165, %get3A_166, %get3A_167] : memref<1x1x160xf32, #tpu.memory_space<smem>>
    %get3A_169 = arith.constant 0 : index
    %get3A_170 = arith.constant 0 : index
    %get3A_171 = arith.constant 42 : index
    %get3A_172 = memref.load %arg2[%get3A_169, %get3A_170, %get3A_171] : memref<1x1x160xf32, #tpu.memory_space<smem>>
    %get3A_173 = arith.constant 0 : index
    %get3A_174 = arith.constant 0 : index
    %get3A_175 = arith.constant 43 : index
    %get3A_176 = memref.load %arg2[%get3A_173, %get3A_174, %get3A_175] : memref<1x1x160xf32, #tpu.memory_space<smem>>
    %get3A_177 = arith.constant 0 : index
    %get3A_178 = arith.constant 0 : index
    %get3A_179 = arith.constant 44 : index
    %get3A_180 = memref.load %arg2[%get3A_177, %get3A_178, %get3A_179] : memref<1x1x160xf32, #tpu.memory_space<smem>>
    %get3A_181 = arith.constant 0 : index
    %get3A_182 = arith.constant 0 : index
    %get3A_183 = arith.constant 45 : index
    %get3A_184 = memref.load %arg2[%get3A_181, %get3A_182, %get3A_183] : memref<1x1x160xf32, #tpu.memory_space<smem>>
    %get3A_185 = arith.constant 0 : index
    %get3A_186 = arith.constant 0 : index
    %get3A_187 = arith.constant 46 : index
    %get3A_188 = memref.load %arg2[%get3A_185, %get3A_186, %get3A_187] : memref<1x1x160xf32, #tpu.memory_space<smem>>
    %get3A_189 = arith.constant 0 : index
    %get3A_190 = arith.constant 0 : index
    %get3A_191 = arith.constant 47 : index
    %get3A_192 = memref.load %arg2[%get3A_189, %get3A_190, %get3A_191] : memref<1x1x160xf32, #tpu.memory_space<smem>>
    %get3A_193 = arith.constant 0 : index
    %get3A_194 = arith.constant 0 : index
    %get3A_195 = arith.constant 48 : index
    %get3A_196 = memref.load %arg2[%get3A_193, %get3A_194, %get3A_195] : memref<1x1x160xf32, #tpu.memory_space<smem>>
    %get3A_197 = arith.constant 0 : index
    %get3A_198 = arith.constant 0 : index
    %get3A_199 = arith.constant 49 : index
    %get3A_200 = memref.load %arg2[%get3A_197, %get3A_198, %get3A_199] : memref<1x1x160xf32, #tpu.memory_space<smem>>
    %get3A_201 = arith.constant 0 : index
    %get3A_202 = arith.constant 0 : index
    %get3A_203 = arith.constant 50 : index
    %get3A_204 = memref.load %arg2[%get3A_201, %get3A_202, %get3A_203] : memref<1x1x160xf32, #tpu.memory_space<smem>>
    %get3A_205 = arith.constant 0 : index
    %get3A_206 = arith.constant 0 : index
    %get3A_207 = arith.constant 51 : index
    %get3A_208 = memref.load %arg2[%get3A_205, %get3A_206, %get3A_207] : memref<1x1x160xf32, #tpu.memory_space<smem>>
    %get3A_209 = arith.constant 0 : index
    %get3A_210 = arith.constant 0 : index
    %get3A_211 = arith.constant 52 : index
    %get3A_212 = memref.load %arg2[%get3A_209, %get3A_210, %get3A_211] : memref<1x1x160xf32, #tpu.memory_space<smem>>
    %get3A_213 = arith.constant 0 : index
    %get3A_214 = arith.constant 0 : index
    %get3A_215 = arith.constant 53 : index
    %get3A_216 = memref.load %arg2[%get3A_213, %get3A_214, %get3A_215] : memref<1x1x160xf32, #tpu.memory_space<smem>>
    %get3A_217 = arith.constant 0 : index
    %get3A_218 = arith.constant 0 : index
    %get3A_219 = arith.constant 54 : index
    %get3A_220 = memref.load %arg2[%get3A_217, %get3A_218, %get3A_219] : memref<1x1x160xf32, #tpu.memory_space<smem>>
    %get3A_221 = arith.constant 0 : index
    %get3A_222 = arith.constant 0 : index
    %get3A_223 = arith.constant 55 : index
    %get3A_224 = memref.load %arg2[%get3A_221, %get3A_222, %get3A_223] : memref<1x1x160xf32, #tpu.memory_space<smem>>
    %get3A_225 = arith.constant 0 : index
    %get3A_226 = arith.constant 0 : index
    %get3A_227 = arith.constant 56 : index
    %get3A_228 = memref.load %arg2[%get3A_225, %get3A_226, %get3A_227] : memref<1x1x160xf32, #tpu.memory_space<smem>>
    %get3A_229 = arith.constant 0 : index
    %get3A_230 = arith.constant 0 : index
    %get3A_231 = arith.constant 57 : index
    %get3A_232 = memref.load %arg2[%get3A_229, %get3A_230, %get3A_231] : memref<1x1x160xf32, #tpu.memory_space<smem>>
    %get3A_233 = arith.constant 0 : index
    %get3A_234 = arith.constant 0 : index
    %get3A_235 = arith.constant 58 : index
    %get3A_236 = memref.load %arg2[%get3A_233, %get3A_234, %get3A_235] : memref<1x1x160xf32, #tpu.memory_space<smem>>
    %get3A_237 = arith.constant 0 : index
    %get3A_238 = arith.constant 0 : index
    %get3A_239 = arith.constant 59 : index
    %get3A_240 = memref.load %arg2[%get3A_237, %get3A_238, %get3A_239] : memref<1x1x160xf32, #tpu.memory_space<smem>>
    %get3A_241 = arith.constant 0 : index
    %get3A_242 = arith.constant 0 : index
    %get3A_243 = arith.constant 60 : index
    %get3A_244 = memref.load %arg2[%get3A_241, %get3A_242, %get3A_243] : memref<1x1x160xf32, #tpu.memory_space<smem>>
    %get3A_245 = arith.constant 0 : index
    %get3A_246 = arith.constant 0 : index
    %get3A_247 = arith.constant 61 : index
    %get3A_248 = memref.load %arg2[%get3A_245, %get3A_246, %get3A_247] : memref<1x1x160xf32, #tpu.memory_space<smem>>
    %get3A_249 = arith.constant 0 : index
    %get3A_250 = arith.constant 0 : index
    %get3A_251 = arith.constant 62 : index
    %get3A_252 = memref.load %arg2[%get3A_249, %get3A_250, %get3A_251] : memref<1x1x160xf32, #tpu.memory_space<smem>>
    %get3A_253 = arith.constant 0 : index
    %get3A_254 = arith.constant 0 : index
    %get3A_255 = arith.constant 63 : index
    %get3A_256 = memref.load %arg2[%get3A_253, %get3A_254, %get3A_255] : memref<1x1x160xf32, #tpu.memory_space<smem>>
    %get3A_257 = arith.constant 0 : index
    %get3A_258 = arith.constant 0 : index
    %get3A_259 = arith.constant 64 : index
    %get3A_260 = memref.load %arg2[%get3A_257, %get3A_258, %get3A_259] : memref<1x1x160xf32, #tpu.memory_space<smem>>
    %get3A_261 = arith.constant 0 : index
    %get3A_262 = arith.constant 0 : index
    %get3A_263 = arith.constant 65 : index
    %get3A_264 = memref.load %arg2[%get3A_261, %get3A_262, %get3A_263] : memref<1x1x160xf32, #tpu.memory_space<smem>>
    %get3A_265 = arith.constant 0 : index
    %get3A_266 = arith.constant 0 : index
    %get3A_267 = arith.constant 66 : index
    %get3A_268 = memref.load %arg2[%get3A_265, %get3A_266, %get3A_267] : memref<1x1x160xf32, #tpu.memory_space<smem>>
    %get3A_269 = arith.constant 0 : index
    %get3A_270 = arith.constant 0 : index
    %get3A_271 = arith.constant 67 : index
    %get3A_272 = memref.load %arg2[%get3A_269, %get3A_270, %get3A_271] : memref<1x1x160xf32, #tpu.memory_space<smem>>
    %get3A_273 = arith.constant 0 : index
    %get3A_274 = arith.constant 0 : index
    %get3A_275 = arith.constant 68 : index
    %get3A_276 = memref.load %arg2[%get3A_273, %get3A_274, %get3A_275] : memref<1x1x160xf32, #tpu.memory_space<smem>>
    %get3A_277 = arith.constant 0 : index
    %get3A_278 = arith.constant 0 : index
    %get3A_279 = arith.constant 69 : index
    %get3A_280 = memref.load %arg2[%get3A_277, %get3A_278, %get3A_279] : memref<1x1x160xf32, #tpu.memory_space<smem>>
    %get3A_281 = arith.constant 0 : index
    %get3A_282 = arith.constant 0 : index
    %get3A_283 = arith.constant 70 : index
    %get3A_284 = memref.load %arg2[%get3A_281, %get3A_282, %get3A_283] : memref<1x1x160xf32, #tpu.memory_space<smem>>
    %get3A_285 = arith.constant 0 : index
    %get3A_286 = arith.constant 0 : index
    %get3A_287 = arith.constant 71 : index
    %get3A_288 = memref.load %arg2[%get3A_285, %get3A_286, %get3A_287] : memref<1x1x160xf32, #tpu.memory_space<smem>>
    %get3A_289 = arith.constant 0 : index
    %get3A_290 = arith.constant 0 : index
    %get3A_291 = arith.constant 72 : index
    %get3A_292 = memref.load %arg2[%get3A_289, %get3A_290, %get3A_291] : memref<1x1x160xf32, #tpu.memory_space<smem>>
    %get3A_293 = arith.constant 0 : index
    %get3A_294 = arith.constant 0 : index
    %get3A_295 = arith.constant 73 : index
    %get3A_296 = memref.load %arg2[%get3A_293, %get3A_294, %get3A_295] : memref<1x1x160xf32, #tpu.memory_space<smem>>
    %get3A_297 = arith.constant 0 : index
    %get3A_298 = arith.constant 0 : index
    %get3A_299 = arith.constant 74 : index
    %get3A_300 = memref.load %arg2[%get3A_297, %get3A_298, %get3A_299] : memref<1x1x160xf32, #tpu.memory_space<smem>>
    %get3A_301 = arith.constant 0 : index
    %get3A_302 = arith.constant 0 : index
    %get3A_303 = arith.constant 75 : index
    %get3A_304 = memref.load %arg2[%get3A_301, %get3A_302, %get3A_303] : memref<1x1x160xf32, #tpu.memory_space<smem>>
    %get3A_305 = arith.constant 0 : index
    %get3A_306 = arith.constant 0 : index
    %get3A_307 = arith.constant 76 : index
    %get3A_308 = memref.load %arg2[%get3A_305, %get3A_306, %get3A_307] : memref<1x1x160xf32, #tpu.memory_space<smem>>
    %get3A_309 = arith.constant 0 : index
    %get3A_310 = arith.constant 0 : index
    %get3A_311 = arith.constant 77 : index
    %get3A_312 = memref.load %arg2[%get3A_309, %get3A_310, %get3A_311] : memref<1x1x160xf32, #tpu.memory_space<smem>>
    %get3A_313 = arith.constant 0 : index
    %get3A_314 = arith.constant 0 : index
    %get3A_315 = arith.constant 78 : index
    %get3A_316 = memref.load %arg2[%get3A_313, %get3A_314, %get3A_315] : memref<1x1x160xf32, #tpu.memory_space<smem>>
    %get3A_317 = arith.constant 0 : index
    %get3A_318 = arith.constant 0 : index
    %get3A_319 = arith.constant 79 : index
    %get3A_320 = memref.load %arg2[%get3A_317, %get3A_318, %get3A_319] : memref<1x1x160xf32, #tpu.memory_space<smem>>
    %get3A_321 = arith.constant 0 : index
    %get3A_322 = arith.constant 0 : index
    %get3A_323 = arith.constant 80 : index
    %get3A_324 = memref.load %arg2[%get3A_321, %get3A_322, %get3A_323] : memref<1x1x160xf32, #tpu.memory_space<smem>>
    %get3A_325 = arith.constant 0 : index
    %get3A_326 = arith.constant 0 : index
    %get3A_327 = arith.constant 81 : index
    %get3A_328 = memref.load %arg2[%get3A_325, %get3A_326, %get3A_327] : memref<1x1x160xf32, #tpu.memory_space<smem>>
    %get3A_329 = arith.constant 0 : index
    %get3A_330 = arith.constant 0 : index
    %get3A_331 = arith.constant 82 : index
    %get3A_332 = memref.load %arg2[%get3A_329, %get3A_330, %get3A_331] : memref<1x1x160xf32, #tpu.memory_space<smem>>
    %get3A_333 = arith.constant 0 : index
    %get3A_334 = arith.constant 0 : index
    %get3A_335 = arith.constant 83 : index
    %get3A_336 = memref.load %arg2[%get3A_333, %get3A_334, %get3A_335] : memref<1x1x160xf32, #tpu.memory_space<smem>>
    %get3A_337 = arith.constant 0 : index
    %get3A_338 = arith.constant 0 : index
    %get3A_339 = arith.constant 84 : index
    %get3A_340 = memref.load %arg2[%get3A_337, %get3A_338, %get3A_339] : memref<1x1x160xf32, #tpu.memory_space<smem>>
    %get3A_341 = arith.constant 0 : index
    %get3A_342 = arith.constant 0 : index
    %get3A_343 = arith.constant 85 : index
    %get3A_344 = memref.load %arg2[%get3A_341, %get3A_342, %get3A_343] : memref<1x1x160xf32, #tpu.memory_space<smem>>
    %get3A_345 = arith.constant 0 : index
    %get3A_346 = arith.constant 0 : index
    %get3A_347 = arith.constant 86 : index
    %get3A_348 = memref.load %arg2[%get3A_345, %get3A_346, %get3A_347] : memref<1x1x160xf32, #tpu.memory_space<smem>>
    %get3A_349 = arith.constant 0 : index
    %get3A_350 = arith.constant 0 : index
    %get3A_351 = arith.constant 87 : index
    %get3A_352 = memref.load %arg2[%get3A_349, %get3A_350, %get3A_351] : memref<1x1x160xf32, #tpu.memory_space<smem>>
    %get3A_353 = arith.constant 0 : index
    %get3A_354 = arith.constant 0 : index
    %get3A_355 = arith.constant 88 : index
    %get3A_356 = memref.load %arg2[%get3A_353, %get3A_354, %get3A_355] : memref<1x1x160xf32, #tpu.memory_space<smem>>
    %get3A_357 = arith.constant 0 : index
    %get3A_358 = arith.constant 0 : index
    %get3A_359 = arith.constant 89 : index
    %get3A_360 = memref.load %arg2[%get3A_357, %get3A_358, %get3A_359] : memref<1x1x160xf32, #tpu.memory_space<smem>>
    %get3A_361 = arith.constant 0 : index
    %get3A_362 = arith.constant 0 : index
    %get3A_363 = arith.constant 90 : index
    %get3A_364 = memref.load %arg2[%get3A_361, %get3A_362, %get3A_363] : memref<1x1x160xf32, #tpu.memory_space<smem>>
    %get3A_365 = arith.constant 0 : index
    %get3A_366 = arith.constant 0 : index
    %get3A_367 = arith.constant 91 : index
    %get3A_368 = memref.load %arg2[%get3A_365, %get3A_366, %get3A_367] : memref<1x1x160xf32, #tpu.memory_space<smem>>
    %get3A_369 = arith.constant 0 : index
    %get3A_370 = arith.constant 0 : index
    %get3A_371 = arith.constant 92 : index
    %get3A_372 = memref.load %arg2[%get3A_369, %get3A_370, %get3A_371] : memref<1x1x160xf32, #tpu.memory_space<smem>>
    %get3A_373 = arith.constant 0 : index
    %get3A_374 = arith.constant 0 : index
    %get3A_375 = arith.constant 93 : index
    %get3A_376 = memref.load %arg2[%get3A_373, %get3A_374, %get3A_375] : memref<1x1x160xf32, #tpu.memory_space<smem>>
    %get3A_377 = arith.constant 0 : index
    %get3A_378 = arith.constant 0 : index
    %get3A_379 = arith.constant 94 : index
    %get3A_380 = memref.load %arg2[%get3A_377, %get3A_378, %get3A_379] : memref<1x1x160xf32, #tpu.memory_space<smem>>
    %get3A_381 = arith.constant 0 : index
    %get3A_382 = arith.constant 0 : index
    %get3A_383 = arith.constant 95 : index
    %get3A_384 = memref.load %arg2[%get3A_381, %get3A_382, %get3A_383] : memref<1x1x160xf32, #tpu.memory_space<smem>>
    %get3A_385 = arith.constant 0 : index
    %get3A_386 = arith.constant 0 : index
    %get3A_387 = arith.constant 96 : index
    %get3A_388 = memref.load %arg2[%get3A_385, %get3A_386, %get3A_387] : memref<1x1x160xf32, #tpu.memory_space<smem>>
    %get3A_389 = arith.constant 0 : index
    %get3A_390 = arith.constant 0 : index
    %get3A_391 = arith.constant 97 : index
    %get3A_392 = memref.load %arg2[%get3A_389, %get3A_390, %get3A_391] : memref<1x1x160xf32, #tpu.memory_space<smem>>
    %get3A_393 = arith.constant 0 : index
    %get3A_394 = arith.constant 0 : index
    %get3A_395 = arith.constant 98 : index
    %get3A_396 = memref.load %arg2[%get3A_393, %get3A_394, %get3A_395] : memref<1x1x160xf32, #tpu.memory_space<smem>>
    %get3A_397 = arith.constant 0 : index
    %get3A_398 = arith.constant 0 : index
    %get3A_399 = arith.constant 99 : index
    %get3A_400 = memref.load %arg2[%get3A_397, %get3A_398, %get3A_399] : memref<1x1x160xf32, #tpu.memory_space<smem>>
    %get3A_401 = arith.constant 0 : index
    %get3A_402 = arith.constant 0 : index
    %get3A_403 = arith.constant 100 : index
    %get3A_404 = memref.load %arg2[%get3A_401, %get3A_402, %get3A_403] : memref<1x1x160xf32, #tpu.memory_space<smem>>
    %get3A_405 = arith.constant 0 : index
    %get3A_406 = arith.constant 0 : index
    %get3A_407 = arith.constant 101 : index
    %get3A_408 = memref.load %arg2[%get3A_405, %get3A_406, %get3A_407] : memref<1x1x160xf32, #tpu.memory_space<smem>>
    %get3A_409 = arith.constant 0 : index
    %get3A_410 = arith.constant 0 : index
    %get3A_411 = arith.constant 102 : index
    %get3A_412 = memref.load %arg2[%get3A_409, %get3A_410, %get3A_411] : memref<1x1x160xf32, #tpu.memory_space<smem>>
    %get3A_413 = arith.constant 0 : index
    %get3A_414 = arith.constant 0 : index
    %get3A_415 = arith.constant 103 : index
    %get3A_416 = memref.load %arg2[%get3A_413, %get3A_414, %get3A_415] : memref<1x1x160xf32, #tpu.memory_space<smem>>
    %get3A_417 = arith.constant 0 : index
    %get3A_418 = arith.constant 0 : index
    %get3A_419 = arith.constant 104 : index
    %get3A_420 = memref.load %arg2[%get3A_417, %get3A_418, %get3A_419] : memref<1x1x160xf32, #tpu.memory_space<smem>>
    %get3A_421 = arith.constant 0 : index
    %get3A_422 = arith.constant 0 : index
    %get3A_423 = arith.constant 105 : index
    %get3A_424 = memref.load %arg2[%get3A_421, %get3A_422, %get3A_423] : memref<1x1x160xf32, #tpu.memory_space<smem>>
    %get3A_425 = arith.constant 0 : index
    %get3A_426 = arith.constant 0 : index
    %get3A_427 = arith.constant 106 : index
    %get3A_428 = memref.load %arg2[%get3A_425, %get3A_426, %get3A_427] : memref<1x1x160xf32, #tpu.memory_space<smem>>
    %get3A_429 = arith.constant 0 : index
    %get3A_430 = arith.constant 0 : index
    %get3A_431 = arith.constant 107 : index
    %get3A_432 = memref.load %arg2[%get3A_429, %get3A_430, %get3A_431] : memref<1x1x160xf32, #tpu.memory_space<smem>>
    %get3A_433 = arith.constant 0 : index
    %get3A_434 = arith.constant 0 : index
    %get3A_435 = arith.constant 108 : index
    %get3A_436 = memref.load %arg2[%get3A_433, %get3A_434, %get3A_435] : memref<1x1x160xf32, #tpu.memory_space<smem>>
    %get3A_437 = arith.constant 0 : index
    %get3A_438 = arith.constant 0 : index
    %get3A_439 = arith.constant 109 : index
    %get3A_440 = memref.load %arg2[%get3A_437, %get3A_438, %get3A_439] : memref<1x1x160xf32, #tpu.memory_space<smem>>
    %get3A_441 = arith.constant 0 : index
    %get3A_442 = arith.constant 0 : index
    %get3A_443 = arith.constant 110 : index
    %get3A_444 = memref.load %arg2[%get3A_441, %get3A_442, %get3A_443] : memref<1x1x160xf32, #tpu.memory_space<smem>>
    %get3A_445 = arith.constant 0 : index
    %get3A_446 = arith.constant 0 : index
    %get3A_447 = arith.constant 111 : index
    %get3A_448 = memref.load %arg2[%get3A_445, %get3A_446, %get3A_447] : memref<1x1x160xf32, #tpu.memory_space<smem>>
    %get3A_449 = arith.constant 0 : index
    %get3A_450 = arith.constant 0 : index
    %get3A_451 = arith.constant 112 : index
    %get3A_452 = memref.load %arg2[%get3A_449, %get3A_450, %get3A_451] : memref<1x1x160xf32, #tpu.memory_space<smem>>
    %get3A_453 = arith.constant 0 : index
    %get3A_454 = arith.constant 0 : index
    %get3A_455 = arith.constant 113 : index
    %get3A_456 = memref.load %arg2[%get3A_453, %get3A_454, %get3A_455] : memref<1x1x160xf32, #tpu.memory_space<smem>>
    %get3A_457 = arith.constant 0 : index
    %get3A_458 = arith.constant 0 : index
    %get3A_459 = arith.constant 114 : index
    %get3A_460 = memref.load %arg2[%get3A_457, %get3A_458, %get3A_459] : memref<1x1x160xf32, #tpu.memory_space<smem>>
    %get3A_461 = arith.constant 0 : index
    %get3A_462 = arith.constant 0 : index
    %get3A_463 = arith.constant 115 : index
    %get3A_464 = memref.load %arg2[%get3A_461, %get3A_462, %get3A_463] : memref<1x1x160xf32, #tpu.memory_space<smem>>
    %get3A_465 = arith.constant 0 : index
    %get3A_466 = arith.constant 0 : index
    %get3A_467 = arith.constant 116 : index
    %get3A_468 = memref.load %arg2[%get3A_465, %get3A_466, %get3A_467] : memref<1x1x160xf32, #tpu.memory_space<smem>>
    %get3A_469 = arith.constant 0 : index
    %get3A_470 = arith.constant 0 : index
    %get3A_471 = arith.constant 117 : index
    %get3A_472 = memref.load %arg2[%get3A_469, %get3A_470, %get3A_471] : memref<1x1x160xf32, #tpu.memory_space<smem>>
    %get3A_473 = arith.constant 0 : index
    %get3A_474 = arith.constant 0 : index
    %get3A_475 = arith.constant 118 : index
    %get3A_476 = memref.load %arg2[%get3A_473, %get3A_474, %get3A_475] : memref<1x1x160xf32, #tpu.memory_space<smem>>
    %get3A_477 = arith.constant 0 : index
    %get3A_478 = arith.constant 0 : index
    %get3A_479 = arith.constant 119 : index
    %get3A_480 = memref.load %arg2[%get3A_477, %get3A_478, %get3A_479] : memref<1x1x160xf32, #tpu.memory_space<smem>>
    %get3A_481 = arith.constant 0 : index
    %get3A_482 = arith.constant 0 : index
    %get3A_483 = arith.constant 120 : index
    %get3A_484 = memref.load %arg2[%get3A_481, %get3A_482, %get3A_483] : memref<1x1x160xf32, #tpu.memory_space<smem>>
    %get3A_485 = arith.constant 0 : index
    %get3A_486 = arith.constant 0 : index
    %get3A_487 = arith.constant 121 : index
    %get3A_488 = memref.load %arg2[%get3A_485, %get3A_486, %get3A_487] : memref<1x1x160xf32, #tpu.memory_space<smem>>
    %get3A_489 = arith.constant 0 : index
    %get3A_490 = arith.constant 0 : index
    %get3A_491 = arith.constant 122 : index
    %get3A_492 = memref.load %arg2[%get3A_489, %get3A_490, %get3A_491] : memref<1x1x160xf32, #tpu.memory_space<smem>>
    %get3A_493 = arith.constant 0 : index
    %get3A_494 = arith.constant 0 : index
    %get3A_495 = arith.constant 123 : index
    %get3A_496 = memref.load %arg2[%get3A_493, %get3A_494, %get3A_495] : memref<1x1x160xf32, #tpu.memory_space<smem>>
    %get3A_497 = arith.constant 0 : index
    %get3A_498 = arith.constant 0 : index
    %get3A_499 = arith.constant 124 : index
    %get3A_500 = memref.load %arg2[%get3A_497, %get3A_498, %get3A_499] : memref<1x1x160xf32, #tpu.memory_space<smem>>
    %get3A_501 = arith.constant 0 : index
    %get3A_502 = arith.constant 0 : index
    %get3A_503 = arith.constant 125 : index
    %get3A_504 = memref.load %arg2[%get3A_501, %get3A_502, %get3A_503] : memref<1x1x160xf32, #tpu.memory_space<smem>>
    %get3A_505 = arith.constant 0 : index
    %get3A_506 = arith.constant 0 : index
    %get3A_507 = arith.constant 126 : index
    %get3A_508 = memref.load %arg2[%get3A_505, %get3A_506, %get3A_507] : memref<1x1x160xf32, #tpu.memory_space<smem>>
    %get3A_509 = arith.constant 0 : index
    %get3A_510 = arith.constant 0 : index
    %get3A_511 = arith.constant 127 : index
    %get3A_512 = memref.load %arg2[%get3A_509, %get3A_510, %get3A_511] : memref<1x1x160xf32, #tpu.memory_space<smem>>
    %get3A_513 = arith.constant 0 : index
    %get3A_514 = arith.constant 0 : index
    %get3A_515 = arith.constant 128 : index
    %get3A_516 = memref.load %arg2[%get3A_513, %get3A_514, %get3A_515] : memref<1x1x160xf32, #tpu.memory_space<smem>>
    %get3A_517 = arith.constant 0 : index
    %get3A_518 = arith.constant 0 : index
    %get3A_519 = arith.constant 129 : index
    %get3A_520 = memref.load %arg2[%get3A_517, %get3A_518, %get3A_519] : memref<1x1x160xf32, #tpu.memory_space<smem>>
    %get3A_521 = arith.constant 0 : index
    %get3A_522 = arith.constant 0 : index
    %get3A_523 = arith.constant 130 : index
    %get3A_524 = memref.load %arg2[%get3A_521, %get3A_522, %get3A_523] : memref<1x1x160xf32, #tpu.memory_space<smem>>
    %get3A_525 = arith.constant 0 : index
    %get3A_526 = arith.constant 0 : index
    %get3A_527 = arith.constant 131 : index
    %get3A_528 = memref.load %arg2[%get3A_525, %get3A_526, %get3A_527] : memref<1x1x160xf32, #tpu.memory_space<smem>>
    %get3A_529 = arith.constant 0 : index
    %get3A_530 = arith.constant 0 : index
    %get3A_531 = arith.constant 132 : index
    %get3A_532 = memref.load %arg2[%get3A_529, %get3A_530, %get3A_531] : memref<1x1x160xf32, #tpu.memory_space<smem>>
    %get3A_533 = arith.constant 0 : index
    %get3A_534 = arith.constant 0 : index
    %get3A_535 = arith.constant 133 : index
    %get3A_536 = memref.load %arg2[%get3A_533, %get3A_534, %get3A_535] : memref<1x1x160xf32, #tpu.memory_space<smem>>
    %get3A_537 = arith.constant 0 : index
    %get3A_538 = arith.constant 0 : index
    %get3A_539 = arith.constant 134 : index
    %get3A_540 = memref.load %arg2[%get3A_537, %get3A_538, %get3A_539] : memref<1x1x160xf32, #tpu.memory_space<smem>>
    %get3A_541 = arith.constant 0 : index
    %get3A_542 = arith.constant 0 : index
    %get3A_543 = arith.constant 135 : index
    %get3A_544 = memref.load %arg2[%get3A_541, %get3A_542, %get3A_543] : memref<1x1x160xf32, #tpu.memory_space<smem>>
    %get3A_545 = arith.constant 0 : index
    %get3A_546 = arith.constant 0 : index
    %get3A_547 = arith.constant 136 : index
    %get3A_548 = memref.load %arg2[%get3A_545, %get3A_546, %get3A_547] : memref<1x1x160xf32, #tpu.memory_space<smem>>
    %get3A_549 = arith.constant 0 : index
    %get3A_550 = arith.constant 0 : index
    %get3A_551 = arith.constant 137 : index
    %get3A_552 = memref.load %arg2[%get3A_549, %get3A_550, %get3A_551] : memref<1x1x160xf32, #tpu.memory_space<smem>>
    %get3A_553 = arith.constant 0 : index
    %get3A_554 = arith.constant 0 : index
    %get3A_555 = arith.constant 138 : index
    %get3A_556 = memref.load %arg2[%get3A_553, %get3A_554, %get3A_555] : memref<1x1x160xf32, #tpu.memory_space<smem>>
    %get3A_557 = arith.constant 0 : index
    %get3A_558 = arith.constant 0 : index
    %get3A_559 = arith.constant 139 : index
    %get3A_560 = memref.load %arg2[%get3A_557, %get3A_558, %get3A_559] : memref<1x1x160xf32, #tpu.memory_space<smem>>
    %get3A_561 = arith.constant 0 : index
    %get3A_562 = arith.constant 0 : index
    %get3A_563 = arith.constant 140 : index
    %get3A_564 = memref.load %arg2[%get3A_561, %get3A_562, %get3A_563] : memref<1x1x160xf32, #tpu.memory_space<smem>>
    %get3A_565 = arith.constant 0 : index
    %get3A_566 = arith.constant 0 : index
    %get3A_567 = arith.constant 141 : index
    %get3A_568 = memref.load %arg2[%get3A_565, %get3A_566, %get3A_567] : memref<1x1x160xf32, #tpu.memory_space<smem>>
    %get3A_569 = arith.constant 0 : index
    %get3A_570 = arith.constant 0 : index
    %get3A_571 = arith.constant 142 : index
    %get3A_572 = memref.load %arg2[%get3A_569, %get3A_570, %get3A_571] : memref<1x1x160xf32, #tpu.memory_space<smem>>
    %get3A_573 = arith.constant 0 : index
    %get3A_574 = arith.constant 0 : index
    %get3A_575 = arith.constant 143 : index
    %get3A_576 = memref.load %arg2[%get3A_573, %get3A_574, %get3A_575] : memref<1x1x160xf32, #tpu.memory_space<smem>>
    %get3A_577 = arith.constant 0 : index
    %get3A_578 = arith.constant 0 : index
    %get3A_579 = arith.constant 144 : index
    %get3A_580 = memref.load %arg2[%get3A_577, %get3A_578, %get3A_579] : memref<1x1x160xf32, #tpu.memory_space<smem>>
    %get3A_581 = arith.constant 0 : index
    %get3A_582 = arith.constant 0 : index
    %get3A_583 = arith.constant 145 : index
    %get3A_584 = memref.load %arg2[%get3A_581, %get3A_582, %get3A_583] : memref<1x1x160xf32, #tpu.memory_space<smem>>
    %get3A_585 = arith.constant 0 : index
    %get3A_586 = arith.constant 0 : index
    %get3A_587 = arith.constant 146 : index
    %get3A_588 = memref.load %arg2[%get3A_585, %get3A_586, %get3A_587] : memref<1x1x160xf32, #tpu.memory_space<smem>>
    %get3A_589 = arith.constant 0 : index
    %get3A_590 = arith.constant 0 : index
    %get3A_591 = arith.constant 147 : index
    %get3A_592 = memref.load %arg2[%get3A_589, %get3A_590, %get3A_591] : memref<1x1x160xf32, #tpu.memory_space<smem>>
    %get3A_593 = arith.constant 0 : index
    %get3A_594 = arith.constant 0 : index
    %get3A_595 = arith.constant 148 : index
    %get3A_596 = memref.load %arg2[%get3A_593, %get3A_594, %get3A_595] : memref<1x1x160xf32, #tpu.memory_space<smem>>
    %get3A_597 = arith.constant 0 : index
    %get3A_598 = arith.constant 0 : index
    %get3A_599 = arith.constant 149 : index
    %get3A_600 = memref.load %arg2[%get3A_597, %get3A_598, %get3A_599] : memref<1x1x160xf32, #tpu.memory_space<smem>>
    %get3A_601 = arith.constant 0 : index
    %get3A_602 = arith.constant 0 : index
    %get3A_603 = arith.constant 150 : index
    %get3A_604 = memref.load %arg2[%get3A_601, %get3A_602, %get3A_603] : memref<1x1x160xf32, #tpu.memory_space<smem>>
    %get3A_605 = arith.constant 0 : index
    %get3A_606 = arith.constant 0 : index
    %get3A_607 = arith.constant 151 : index
    %get3A_608 = memref.load %arg2[%get3A_605, %get3A_606, %get3A_607] : memref<1x1x160xf32, #tpu.memory_space<smem>>
    %get3A_609 = arith.constant 0 : index
    %get3A_610 = arith.constant 0 : index
    %get3A_611 = arith.constant 152 : index
    %get3A_612 = memref.load %arg2[%get3A_609, %get3A_610, %get3A_611] : memref<1x1x160xf32, #tpu.memory_space<smem>>
    %get3A_613 = arith.constant 0 : index
    %get3A_614 = arith.constant 0 : index
    %get3A_615 = arith.constant 153 : index
    %get3A_616 = memref.load %arg2[%get3A_613, %get3A_614, %get3A_615] : memref<1x1x160xf32, #tpu.memory_space<smem>>
    %get3A_617 = arith.constant 0 : index
    %get3A_618 = arith.constant 0 : index
    %get3A_619 = arith.constant 154 : index
    %get3A_620 = memref.load %arg2[%get3A_617, %get3A_618, %get3A_619] : memref<1x1x160xf32, #tpu.memory_space<smem>>
    %get3A_621 = arith.constant 0 : index
    %get3A_622 = arith.constant 0 : index
    %get3A_623 = arith.constant 155 : index
    %get3A_624 = memref.load %arg2[%get3A_621, %get3A_622, %get3A_623] : memref<1x1x160xf32, #tpu.memory_space<smem>>
    %get3A_625 = arith.constant 0 : index
    %get3A_626 = arith.constant 0 : index
    %get3A_627 = arith.constant 156 : index
    %get3A_628 = memref.load %arg2[%get3A_625, %get3A_626, %get3A_627] : memref<1x1x160xf32, #tpu.memory_space<smem>>
    %get3A_629 = arith.constant 0 : index
    %get3A_630 = arith.constant 0 : index
    %get3A_631 = arith.constant 157 : index
    %get3A_632 = memref.load %arg2[%get3A_629, %get3A_630, %get3A_631] : memref<1x1x160xf32, #tpu.memory_space<smem>>
    %get3A_633 = arith.constant 0 : index
    %get3A_634 = arith.constant 0 : index
    %get3A_635 = arith.constant 158 : index
    %get3A_636 = memref.load %arg2[%get3A_633, %get3A_634, %get3A_635] : memref<1x1x160xf32, #tpu.memory_space<smem>>
    %get3A_637 = arith.constant 0 : index
    %get3A_638 = arith.constant 0 : index
    %get3A_639 = arith.constant 159 : index
    %get3A_640 = memref.load %arg2[%get3A_637, %get3A_638, %get3A_639] : memref<1x1x160xf32, #tpu.memory_space<smem>>
    %broadcast_in_dim3A = arith.constant 0.000000e+00 : f32
    %broadcast_in_dim3A_641 = vector.broadcast %broadcast_in_dim3A : f32 to vector<8x128xf32>
    %scan3A = arith.constant 0 : i32
    %scan3A_642 = arith.constant 29 : i32
    %scan3A_643 = arith.addi %scan3A, %scan3A_642 : i32
    %scan3A_644 = arith.constant 1 : i32
    %scan3A_645:2 = scf.for %scan3A_673 = %scan3A to %scan3A_643 step %scan3A_644 iter_args(%scan3A_674 = %broadcast_in_dim3A_641, %scan3A_675 = %broadcast_in_dim3A_641) -> (vector<8x128xf32>, vector<8x128xf32>)  : i32 {
      %mul3A = arith.constant 8 : i32
      %mul3A_676 = arith.muli %scan3A_673, %mul3A : i32
      %get3A_677 = arith.constant 0 : index
      %get3A_678 = arith.constant 0 : index
      %get3A_679 = arith.index_cast %mul3A_676 : i32 to index
      %get3A_680 = arith.constant 0 : index
      %get3A_681 = vector.load %arg3[%get3A_677, %get3A_678, %get3A_679, %get3A_680] : memref<1x4x232x128xf32, #tpu.memory_space<vmem>>, vector<1x1x8x128xf32>
      %get3A_682 = vector.shape_cast %get3A_681 : vector<1x1x8x128xf32> to vector<8x128xf32>
      %get3A_683 = arith.constant 0 : index
      %get3A_684 = arith.constant 1 : index
      %get3A_685 = arith.index_cast %mul3A_676 : i32 to index
      %get3A_686 = arith.constant 0 : index
      %get3A_687 = vector.load %arg3[%get3A_683, %get3A_684, %get3A_685, %get3A_686] : memref<1x4x232x128xf32, #tpu.memory_space<vmem>>, vector<1x1x8x128xf32>
      %get3A_688 = vector.shape_cast %get3A_687 : vector<1x1x8x128xf32> to vector<8x128xf32>
      %get3A_689 = arith.constant 0 : index
      %get3A_690 = arith.constant 2 : index
      %get3A_691 = arith.index_cast %mul3A_676 : i32 to index
      %get3A_692 = arith.constant 0 : index
      %get3A_693 = vector.load %arg3[%get3A_689, %get3A_690, %get3A_691, %get3A_692] : memref<1x4x232x128xf32, #tpu.memory_space<vmem>>, vector<1x1x8x128xf32>
      %get3A_694 = vector.shape_cast %get3A_693 : vector<1x1x8x128xf32> to vector<8x128xf32>
      %get3A_695 = arith.constant 0 : index
      %get3A_696 = arith.constant 3 : index
      %get3A_697 = arith.index_cast %mul3A_676 : i32 to index
      %get3A_698 = arith.constant 0 : index
      %get3A_699 = vector.load %arg3[%get3A_695, %get3A_696, %get3A_697, %get3A_698] : memref<1x4x232x128xf32, #tpu.memory_space<vmem>>, vector<1x1x8x128xf32>
      %get3A_700 = vector.shape_cast %get3A_699 : vector<1x1x8x128xf32> to vector<8x128xf32>
      %gt3A = arith.constant 0.000000e+00 : f32
      %gt3A_701 = vector.broadcast %gt3A : f32 to vector<8x128xf32>
      %gt3A_702 = arith.cmpf ogt, %get3A_682, %gt3A_701 : vector<8x128xf32>
      %gt3A_703 = arith.constant 0.000000e+00 : f32
      %gt3A_704 = vector.broadcast %gt3A_703 : f32 to vector<8x128xf32>
      %gt3A_705 = arith.cmpf ogt, %get3A_688, %gt3A_704 : vector<8x128xf32>
      %and3A = arith.andi %gt3A_702, %gt3A_705 : vector<8x128xi1>
      %lt3A = arith.constant 8.000000e+02 : f32
      %lt3A_706 = vector.broadcast %lt3A : f32 to vector<8x128xf32>
      %lt3A_707 = arith.cmpf olt, %get3A_694, %lt3A_706 : vector<8x128xf32>
      %and3A_708 = arith.andi %and3A, %lt3A_707 : vector<8x128xi1>
      %lt3A_709 = arith.constant 8.000000e+02 : f32
      %lt3A_710 = vector.broadcast %lt3A_709 : f32 to vector<8x128xf32>
      %lt3A_711 = arith.cmpf olt, %get3A_700, %lt3A_710 : vector<8x128xf32>
      %and3A_712 = arith.andi %and3A_708, %lt3A_711 : vector<8x128xi1>
      %sub3A = arith.subf %get3A_694, %get3A_682 : vector<8x128xf32>
      %sub3A_713 = arith.subf %get3A_700, %get3A_688 : vector<8x128xf32>
      %mul3A_714 = arith.mulf %sub3A, %sub3A_713 : vector<8x128xf32>
      %mul3A_715 = arith.constant 5.000000e-01 : f32
      %mul3A_716 = vector.broadcast %mul3A_715 : f32 to vector<8x128xf32>
      %mul3A_717 = arith.mulf %mul3A_716, %sub3A : vector<8x128xf32>
      %add3A_718 = arith.addf %get3A_682, %mul3A_717 : vector<8x128xf32>
      %mul3A_719 = arith.constant 5.000000e-01 : f32
      %mul3A_720 = vector.broadcast %mul3A_719 : f32 to vector<8x128xf32>
      %mul3A_721 = arith.mulf %mul3A_720, %sub3A_713 : vector<8x128xf32>
      %add3A_722 = arith.addf %get3A_688, %mul3A_721 : vector<8x128xf32>
      %min3A = vector.broadcast %get3A_12 : f32 to vector<8x128xf32>
      %min3A_723 = arith.minimumf %get3A_694, %min3A : vector<8x128xf32>
      %max3A = vector.broadcast %get3A_4 : f32 to vector<8x128xf32>
      %max3A_724 = arith.maximumf %get3A_682, %max3A : vector<8x128xf32>
      %sub3A_725 = arith.subf %min3A_723, %max3A_724 : vector<8x128xf32>
      %max3A_726 = arith.constant 0.000000e+00 : f32
      %max3A_727 = vector.broadcast %max3A_726 : f32 to vector<8x128xf32>
      %max3A_728 = arith.maximumf %sub3A_725, %max3A_727 : vector<8x128xf32>
      %min3A_729 = vector.broadcast %get3A_16 : f32 to vector<8x128xf32>
      %min3A_730 = arith.minimumf %get3A_700, %min3A_729 : vector<8x128xf32>
      %max3A_731 = vector.broadcast %get3A_8 : f32 to vector<8x128xf32>
      %max3A_732 = arith.maximumf %get3A_688, %max3A_731 : vector<8x128xf32>
      %sub3A_733 = arith.subf %min3A_730, %max3A_732 : vector<8x128xf32>
      %max3A_734 = arith.constant 0.000000e+00 : f32
      %max3A_735 = vector.broadcast %max3A_734 : f32 to vector<8x128xf32>
      %max3A_736 = arith.maximumf %sub3A_733, %max3A_735 : vector<8x128xf32>
      %mul3A_737 = arith.mulf %max3A_728, %max3A_736 : vector<8x128xf32>
      %sub3A_738 = vector.broadcast %get3A_24 : f32 to vector<8x128xf32>
      %sub3A_739 = arith.subf %sub3A_738, %mul3A_737 : vector<8x128xf32>
      %add3A_740 = arith.addf %mul3A_714, %sub3A_739 : vector<8x128xf32>
      %broadcast_in_dim3A_741 = arith.constant 0.000000e+00 : f32
      %broadcast_in_dim3A_742 = vector.broadcast %broadcast_in_dim3A_741 : f32 to vector<8x128xf32>
      %add3A_743 = vector.broadcast %get3A_20 : f32 to vector<8x128xf32>
      %add3A_744 = arith.addf %broadcast_in_dim3A_742, %add3A_743 : vector<8x128xf32>
      %add3A_745 = vector.broadcast %get3A_28 : f32 to vector<8x128xf32>
      %add3A_746 = arith.addf %broadcast_in_dim3A_742, %add3A_745 : vector<8x128xf32>
      %add3A_747 = vector.broadcast %get3A_32 : f32 to vector<8x128xf32>
      %add3A_748 = arith.addf %broadcast_in_dim3A_742, %add3A_747 : vector<8x128xf32>
      %add3A_749 = vector.broadcast %get3A_36 : f32 to vector<8x128xf32>
      %add3A_750 = arith.addf %broadcast_in_dim3A_742, %add3A_749 : vector<8x128xf32>
      %add3A_751 = vector.broadcast %get3A_40 : f32 to vector<8x128xf32>
      %add3A_752 = arith.addf %broadcast_in_dim3A_742, %add3A_751 : vector<8x128xf32>
      %min3A_753 = vector.broadcast %get3A_52 : f32 to vector<8x128xf32>
      %min3A_754 = arith.minimumf %get3A_694, %min3A_753 : vector<8x128xf32>
      %max3A_755 = vector.broadcast %get3A_44 : f32 to vector<8x128xf32>
      %max3A_756 = arith.maximumf %get3A_682, %max3A_755 : vector<8x128xf32>
      %sub3A_757 = arith.subf %min3A_754, %max3A_756 : vector<8x128xf32>
      %max3A_758 = arith.constant 0.000000e+00 : f32
      %max3A_759 = vector.broadcast %max3A_758 : f32 to vector<8x128xf32>
      %max3A_760 = arith.maximumf %sub3A_757, %max3A_759 : vector<8x128xf32>
      %min3A_761 = vector.broadcast %get3A_56 : f32 to vector<8x128xf32>
      %min3A_762 = arith.minimumf %get3A_700, %min3A_761 : vector<8x128xf32>
      %max3A_763 = vector.broadcast %get3A_48 : f32 to vector<8x128xf32>
      %max3A_764 = arith.maximumf %get3A_688, %max3A_763 : vector<8x128xf32>
      %sub3A_765 = arith.subf %min3A_762, %max3A_764 : vector<8x128xf32>
      %max3A_766 = arith.constant 0.000000e+00 : f32
      %max3A_767 = vector.broadcast %max3A_766 : f32 to vector<8x128xf32>
      %max3A_768 = arith.maximumf %sub3A_765, %max3A_767 : vector<8x128xf32>
      %mul3A_769 = arith.mulf %max3A_760, %max3A_768 : vector<8x128xf32>
      %sub3A_770 = vector.broadcast %get3A_64 : f32 to vector<8x128xf32>
      %sub3A_771 = arith.subf %sub3A_770, %mul3A_769 : vector<8x128xf32>
      %add3A_772 = arith.addf %mul3A_714, %sub3A_771 : vector<8x128xf32>
      %mul3A_773 = arith.mulf %mul3A_769, %add3A_740 : vector<8x128xf32>
      %mul3A_774 = arith.mulf %mul3A_737, %add3A_772 : vector<8x128xf32>
      %gt3A_775 = arith.cmpf ogt, %mul3A_773, %mul3A_774 : vector<8x128xf32>
      %select_n3A = arith.select %gt3A_775, %mul3A_769, %mul3A_737 : vector<8x128xi1>, vector<8x128xf32>
      %select_n3A_776 = arith.select %gt3A_775, %add3A_772, %add3A_740 : vector<8x128xi1>, vector<8x128xf32>
      %broadcast_in_dim3A_777 = vector.broadcast %get3A_60 : f32 to vector<8x128xf32>
      %select_n3A_778 = arith.select %gt3A_775, %broadcast_in_dim3A_777, %add3A_744 : vector<8x128xi1>, vector<8x128xf32>
      %broadcast_in_dim3A_779 = vector.broadcast %get3A_68 : f32 to vector<8x128xf32>
      %select_n3A_780 = arith.select %gt3A_775, %broadcast_in_dim3A_779, %add3A_746 : vector<8x128xi1>, vector<8x128xf32>
      %broadcast_in_dim3A_781 = vector.broadcast %get3A_72 : f32 to vector<8x128xf32>
      %select_n3A_782 = arith.select %gt3A_775, %broadcast_in_dim3A_781, %add3A_748 : vector<8x128xi1>, vector<8x128xf32>
      %broadcast_in_dim3A_783 = vector.broadcast %get3A_76 : f32 to vector<8x128xf32>
      %select_n3A_784 = arith.select %gt3A_775, %broadcast_in_dim3A_783, %add3A_750 : vector<8x128xi1>, vector<8x128xf32>
      %broadcast_in_dim3A_785 = vector.broadcast %get3A_80 : f32 to vector<8x128xf32>
      %select_n3A_786 = arith.select %gt3A_775, %broadcast_in_dim3A_785, %add3A_752 : vector<8x128xi1>, vector<8x128xf32>
      %min3A_787 = vector.broadcast %get3A_92 : f32 to vector<8x128xf32>
      %min3A_788 = arith.minimumf %get3A_694, %min3A_787 : vector<8x128xf32>
      %max3A_789 = vector.broadcast %get3A_84 : f32 to vector<8x128xf32>
      %max3A_790 = arith.maximumf %get3A_682, %max3A_789 : vector<8x128xf32>
      %sub3A_791 = arith.subf %min3A_788, %max3A_790 : vector<8x128xf32>
      %max3A_792 = arith.constant 0.000000e+00 : f32
      %max3A_793 = vector.broadcast %max3A_792 : f32 to vector<8x128xf32>
      %max3A_794 = arith.maximumf %sub3A_791, %max3A_793 : vector<8x128xf32>
      %min3A_795 = vector.broadcast %get3A_96 : f32 to vector<8x128xf32>
      %min3A_796 = arith.minimumf %get3A_700, %min3A_795 : vector<8x128xf32>
      %max3A_797 = vector.broadcast %get3A_88 : f32 to vector<8x128xf32>
      %max3A_798 = arith.maximumf %get3A_688, %max3A_797 : vector<8x128xf32>
      %sub3A_799 = arith.subf %min3A_796, %max3A_798 : vector<8x128xf32>
      %max3A_800 = arith.constant 0.000000e+00 : f32
      %max3A_801 = vector.broadcast %max3A_800 : f32 to vector<8x128xf32>
      %max3A_802 = arith.maximumf %sub3A_799, %max3A_801 : vector<8x128xf32>
      %mul3A_803 = arith.mulf %max3A_794, %max3A_802 : vector<8x128xf32>
      %sub3A_804 = vector.broadcast %get3A_104 : f32 to vector<8x128xf32>
      %sub3A_805 = arith.subf %sub3A_804, %mul3A_803 : vector<8x128xf32>
      %add3A_806 = arith.addf %mul3A_714, %sub3A_805 : vector<8x128xf32>
      %mul3A_807 = arith.mulf %mul3A_803, %select_n3A_776 : vector<8x128xf32>
      %mul3A_808 = arith.mulf %select_n3A, %add3A_806 : vector<8x128xf32>
      %gt3A_809 = arith.cmpf ogt, %mul3A_807, %mul3A_808 : vector<8x128xf32>
      %select_n3A_810 = arith.select %gt3A_809, %mul3A_803, %select_n3A : vector<8x128xi1>, vector<8x128xf32>
      %select_n3A_811 = arith.select %gt3A_809, %add3A_806, %select_n3A_776 : vector<8x128xi1>, vector<8x128xf32>
      %broadcast_in_dim3A_812 = vector.broadcast %get3A_100 : f32 to vector<8x128xf32>
      %select_n3A_813 = arith.select %gt3A_809, %broadcast_in_dim3A_812, %select_n3A_778 : vector<8x128xi1>, vector<8x128xf32>
      %broadcast_in_dim3A_814 = vector.broadcast %get3A_108 : f32 to vector<8x128xf32>
      %select_n3A_815 = arith.select %gt3A_809, %broadcast_in_dim3A_814, %select_n3A_780 : vector<8x128xi1>, vector<8x128xf32>
      %broadcast_in_dim3A_816 = vector.broadcast %get3A_112 : f32 to vector<8x128xf32>
      %select_n3A_817 = arith.select %gt3A_809, %broadcast_in_dim3A_816, %select_n3A_782 : vector<8x128xi1>, vector<8x128xf32>
      %broadcast_in_dim3A_818 = vector.broadcast %get3A_116 : f32 to vector<8x128xf32>
      %select_n3A_819 = arith.select %gt3A_809, %broadcast_in_dim3A_818, %select_n3A_784 : vector<8x128xi1>, vector<8x128xf32>
      %broadcast_in_dim3A_820 = vector.broadcast %get3A_120 : f32 to vector<8x128xf32>
      %select_n3A_821 = arith.select %gt3A_809, %broadcast_in_dim3A_820, %select_n3A_786 : vector<8x128xi1>, vector<8x128xf32>
      %min3A_822 = vector.broadcast %get3A_132 : f32 to vector<8x128xf32>
      %min3A_823 = arith.minimumf %get3A_694, %min3A_822 : vector<8x128xf32>
      %max3A_824 = vector.broadcast %get3A_124 : f32 to vector<8x128xf32>
      %max3A_825 = arith.maximumf %get3A_682, %max3A_824 : vector<8x128xf32>
      %sub3A_826 = arith.subf %min3A_823, %max3A_825 : vector<8x128xf32>
      %max3A_827 = arith.constant 0.000000e+00 : f32
      %max3A_828 = vector.broadcast %max3A_827 : f32 to vector<8x128xf32>
      %max3A_829 = arith.maximumf %sub3A_826, %max3A_828 : vector<8x128xf32>
      %min3A_830 = vector.broadcast %get3A_136 : f32 to vector<8x128xf32>
      %min3A_831 = arith.minimumf %get3A_700, %min3A_830 : vector<8x128xf32>
      %max3A_832 = vector.broadcast %get3A_128 : f32 to vector<8x128xf32>
      %max3A_833 = arith.maximumf %get3A_688, %max3A_832 : vector<8x128xf32>
      %sub3A_834 = arith.subf %min3A_831, %max3A_833 : vector<8x128xf32>
      %max3A_835 = arith.constant 0.000000e+00 : f32
      %max3A_836 = vector.broadcast %max3A_835 : f32 to vector<8x128xf32>
      %max3A_837 = arith.maximumf %sub3A_834, %max3A_836 : vector<8x128xf32>
      %mul3A_838 = arith.mulf %max3A_829, %max3A_837 : vector<8x128xf32>
      %sub3A_839 = vector.broadcast %get3A_144 : f32 to vector<8x128xf32>
      %sub3A_840 = arith.subf %sub3A_839, %mul3A_838 : vector<8x128xf32>
      %add3A_841 = arith.addf %mul3A_714, %sub3A_840 : vector<8x128xf32>
      %mul3A_842 = arith.mulf %mul3A_838, %select_n3A_811 : vector<8x128xf32>
      %mul3A_843 = arith.mulf %select_n3A_810, %add3A_841 : vector<8x128xf32>
      %gt3A_844 = arith.cmpf ogt, %mul3A_842, %mul3A_843 : vector<8x128xf32>
      %select_n3A_845 = arith.select %gt3A_844, %mul3A_838, %select_n3A_810 : vector<8x128xi1>, vector<8x128xf32>
      %select_n3A_846 = arith.select %gt3A_844, %add3A_841, %select_n3A_811 : vector<8x128xi1>, vector<8x128xf32>
      %broadcast_in_dim3A_847 = vector.broadcast %get3A_140 : f32 to vector<8x128xf32>
      %select_n3A_848 = arith.select %gt3A_844, %broadcast_in_dim3A_847, %select_n3A_813 : vector<8x128xi1>, vector<8x128xf32>
      %broadcast_in_dim3A_849 = vector.broadcast %get3A_148 : f32 to vector<8x128xf32>
      %select_n3A_850 = arith.select %gt3A_844, %broadcast_in_dim3A_849, %select_n3A_815 : vector<8x128xi1>, vector<8x128xf32>
      %broadcast_in_dim3A_851 = vector.broadcast %get3A_152 : f32 to vector<8x128xf32>
      %select_n3A_852 = arith.select %gt3A_844, %broadcast_in_dim3A_851, %select_n3A_817 : vector<8x128xi1>, vector<8x128xf32>
      %broadcast_in_dim3A_853 = vector.broadcast %get3A_156 : f32 to vector<8x128xf32>
      %select_n3A_854 = arith.select %gt3A_844, %broadcast_in_dim3A_853, %select_n3A_819 : vector<8x128xi1>, vector<8x128xf32>
      %broadcast_in_dim3A_855 = vector.broadcast %get3A_160 : f32 to vector<8x128xf32>
      %select_n3A_856 = arith.select %gt3A_844, %broadcast_in_dim3A_855, %select_n3A_821 : vector<8x128xi1>, vector<8x128xf32>
      %min3A_857 = vector.broadcast %get3A_172 : f32 to vector<8x128xf32>
      %min3A_858 = arith.minimumf %get3A_694, %min3A_857 : vector<8x128xf32>
      %max3A_859 = vector.broadcast %get3A_164 : f32 to vector<8x128xf32>
      %max3A_860 = arith.maximumf %get3A_682, %max3A_859 : vector<8x128xf32>
      %sub3A_861 = arith.subf %min3A_858, %max3A_860 : vector<8x128xf32>
      %max3A_862 = arith.constant 0.000000e+00 : f32
      %max3A_863 = vector.broadcast %max3A_862 : f32 to vector<8x128xf32>
      %max3A_864 = arith.maximumf %sub3A_861, %max3A_863 : vector<8x128xf32>
      %min3A_865 = vector.broadcast %get3A_176 : f32 to vector<8x128xf32>
      %min3A_866 = arith.minimumf %get3A_700, %min3A_865 : vector<8x128xf32>
      %max3A_867 = vector.broadcast %get3A_168 : f32 to vector<8x128xf32>
      %max3A_868 = arith.maximumf %get3A_688, %max3A_867 : vector<8x128xf32>
      %sub3A_869 = arith.subf %min3A_866, %max3A_868 : vector<8x128xf32>
      %max3A_870 = arith.constant 0.000000e+00 : f32
      %max3A_871 = vector.broadcast %max3A_870 : f32 to vector<8x128xf32>
      %max3A_872 = arith.maximumf %sub3A_869, %max3A_871 : vector<8x128xf32>
      %mul3A_873 = arith.mulf %max3A_864, %max3A_872 : vector<8x128xf32>
      %sub3A_874 = vector.broadcast %get3A_184 : f32 to vector<8x128xf32>
      %sub3A_875 = arith.subf %sub3A_874, %mul3A_873 : vector<8x128xf32>
      %add3A_876 = arith.addf %mul3A_714, %sub3A_875 : vector<8x128xf32>
      %mul3A_877 = arith.mulf %mul3A_873, %select_n3A_846 : vector<8x128xf32>
      %mul3A_878 = arith.mulf %select_n3A_845, %add3A_876 : vector<8x128xf32>
      %gt3A_879 = arith.cmpf ogt, %mul3A_877, %mul3A_878 : vector<8x128xf32>
      %select_n3A_880 = arith.select %gt3A_879, %mul3A_873, %select_n3A_845 : vector<8x128xi1>, vector<8x128xf32>
      %select_n3A_881 = arith.select %gt3A_879, %add3A_876, %select_n3A_846 : vector<8x128xi1>, vector<8x128xf32>
      %broadcast_in_dim3A_882 = vector.broadcast %get3A_180 : f32 to vector<8x128xf32>
      %select_n3A_883 = arith.select %gt3A_879, %broadcast_in_dim3A_882, %select_n3A_848 : vector<8x128xi1>, vector<8x128xf32>
      %broadcast_in_dim3A_884 = vector.broadcast %get3A_188 : f32 to vector<8x128xf32>
      %select_n3A_885 = arith.select %gt3A_879, %broadcast_in_dim3A_884, %select_n3A_850 : vector<8x128xi1>, vector<8x128xf32>
      %broadcast_in_dim3A_886 = vector.broadcast %get3A_192 : f32 to vector<8x128xf32>
      %select_n3A_887 = arith.select %gt3A_879, %broadcast_in_dim3A_886, %select_n3A_852 : vector<8x128xi1>, vector<8x128xf32>
      %broadcast_in_dim3A_888 = vector.broadcast %get3A_196 : f32 to vector<8x128xf32>
      %select_n3A_889 = arith.select %gt3A_879, %broadcast_in_dim3A_888, %select_n3A_854 : vector<8x128xi1>, vector<8x128xf32>
      %broadcast_in_dim3A_890 = vector.broadcast %get3A_200 : f32 to vector<8x128xf32>
      %select_n3A_891 = arith.select %gt3A_879, %broadcast_in_dim3A_890, %select_n3A_856 : vector<8x128xi1>, vector<8x128xf32>
      %min3A_892 = vector.broadcast %get3A_212 : f32 to vector<8x128xf32>
      %min3A_893 = arith.minimumf %get3A_694, %min3A_892 : vector<8x128xf32>
      %max3A_894 = vector.broadcast %get3A_204 : f32 to vector<8x128xf32>
      %max3A_895 = arith.maximumf %get3A_682, %max3A_894 : vector<8x128xf32>
      %sub3A_896 = arith.subf %min3A_893, %max3A_895 : vector<8x128xf32>
      %max3A_897 = arith.constant 0.000000e+00 : f32
      %max3A_898 = vector.broadcast %max3A_897 : f32 to vector<8x128xf32>
      %max3A_899 = arith.maximumf %sub3A_896, %max3A_898 : vector<8x128xf32>
      %min3A_900 = vector.broadcast %get3A_216 : f32 to vector<8x128xf32>
      %min3A_901 = arith.minimumf %get3A_700, %min3A_900 : vector<8x128xf32>
      %max3A_902 = vector.broadcast %get3A_208 : f32 to vector<8x128xf32>
      %max3A_903 = arith.maximumf %get3A_688, %max3A_902 : vector<8x128xf32>
      %sub3A_904 = arith.subf %min3A_901, %max3A_903 : vector<8x128xf32>
      %max3A_905 = arith.constant 0.000000e+00 : f32
      %max3A_906 = vector.broadcast %max3A_905 : f32 to vector<8x128xf32>
      %max3A_907 = arith.maximumf %sub3A_904, %max3A_906 : vector<8x128xf32>
      %mul3A_908 = arith.mulf %max3A_899, %max3A_907 : vector<8x128xf32>
      %sub3A_909 = vector.broadcast %get3A_224 : f32 to vector<8x128xf32>
      %sub3A_910 = arith.subf %sub3A_909, %mul3A_908 : vector<8x128xf32>
      %add3A_911 = arith.addf %mul3A_714, %sub3A_910 : vector<8x128xf32>
      %mul3A_912 = arith.mulf %mul3A_908, %select_n3A_881 : vector<8x128xf32>
      %mul3A_913 = arith.mulf %select_n3A_880, %add3A_911 : vector<8x128xf32>
      %gt3A_914 = arith.cmpf ogt, %mul3A_912, %mul3A_913 : vector<8x128xf32>
      %select_n3A_915 = arith.select %gt3A_914, %mul3A_908, %select_n3A_880 : vector<8x128xi1>, vector<8x128xf32>
      %select_n3A_916 = arith.select %gt3A_914, %add3A_911, %select_n3A_881 : vector<8x128xi1>, vector<8x128xf32>
      %broadcast_in_dim3A_917 = vector.broadcast %get3A_220 : f32 to vector<8x128xf32>
      %select_n3A_918 = arith.select %gt3A_914, %broadcast_in_dim3A_917, %select_n3A_883 : vector<8x128xi1>, vector<8x128xf32>
      %broadcast_in_dim3A_919 = vector.broadcast %get3A_228 : f32 to vector<8x128xf32>
      %select_n3A_920 = arith.select %gt3A_914, %broadcast_in_dim3A_919, %select_n3A_885 : vector<8x128xi1>, vector<8x128xf32>
      %broadcast_in_dim3A_921 = vector.broadcast %get3A_232 : f32 to vector<8x128xf32>
      %select_n3A_922 = arith.select %gt3A_914, %broadcast_in_dim3A_921, %select_n3A_887 : vector<8x128xi1>, vector<8x128xf32>
      %broadcast_in_dim3A_923 = vector.broadcast %get3A_236 : f32 to vector<8x128xf32>
      %select_n3A_924 = arith.select %gt3A_914, %broadcast_in_dim3A_923, %select_n3A_889 : vector<8x128xi1>, vector<8x128xf32>
      %broadcast_in_dim3A_925 = vector.broadcast %get3A_240 : f32 to vector<8x128xf32>
      %select_n3A_926 = arith.select %gt3A_914, %broadcast_in_dim3A_925, %select_n3A_891 : vector<8x128xi1>, vector<8x128xf32>
      %min3A_927 = vector.broadcast %get3A_252 : f32 to vector<8x128xf32>
      %min3A_928 = arith.minimumf %get3A_694, %min3A_927 : vector<8x128xf32>
      %max3A_929 = vector.broadcast %get3A_244 : f32 to vector<8x128xf32>
      %max3A_930 = arith.maximumf %get3A_682, %max3A_929 : vector<8x128xf32>
      %sub3A_931 = arith.subf %min3A_928, %max3A_930 : vector<8x128xf32>
      %max3A_932 = arith.constant 0.000000e+00 : f32
      %max3A_933 = vector.broadcast %max3A_932 : f32 to vector<8x128xf32>
      %max3A_934 = arith.maximumf %sub3A_931, %max3A_933 : vector<8x128xf32>
      %min3A_935 = vector.broadcast %get3A_256 : f32 to vector<8x128xf32>
      %min3A_936 = arith.minimumf %get3A_700, %min3A_935 : vector<8x128xf32>
      %max3A_937 = vector.broadcast %get3A_248 : f32 to vector<8x128xf32>
      %max3A_938 = arith.maximumf %get3A_688, %max3A_937 : vector<8x128xf32>
      %sub3A_939 = arith.subf %min3A_936, %max3A_938 : vector<8x128xf32>
      %max3A_940 = arith.constant 0.000000e+00 : f32
      %max3A_941 = vector.broadcast %max3A_940 : f32 to vector<8x128xf32>
      %max3A_942 = arith.maximumf %sub3A_939, %max3A_941 : vector<8x128xf32>
      %mul3A_943 = arith.mulf %max3A_934, %max3A_942 : vector<8x128xf32>
      %sub3A_944 = vector.broadcast %get3A_264 : f32 to vector<8x128xf32>
      %sub3A_945 = arith.subf %sub3A_944, %mul3A_943 : vector<8x128xf32>
      %add3A_946 = arith.addf %mul3A_714, %sub3A_945 : vector<8x128xf32>
      %mul3A_947 = arith.mulf %mul3A_943, %select_n3A_916 : vector<8x128xf32>
      %mul3A_948 = arith.mulf %select_n3A_915, %add3A_946 : vector<8x128xf32>
      %gt3A_949 = arith.cmpf ogt, %mul3A_947, %mul3A_948 : vector<8x128xf32>
      %select_n3A_950 = arith.select %gt3A_949, %mul3A_943, %select_n3A_915 : vector<8x128xi1>, vector<8x128xf32>
      %select_n3A_951 = arith.select %gt3A_949, %add3A_946, %select_n3A_916 : vector<8x128xi1>, vector<8x128xf32>
      %broadcast_in_dim3A_952 = vector.broadcast %get3A_260 : f32 to vector<8x128xf32>
      %select_n3A_953 = arith.select %gt3A_949, %broadcast_in_dim3A_952, %select_n3A_918 : vector<8x128xi1>, vector<8x128xf32>
      %broadcast_in_dim3A_954 = vector.broadcast %get3A_268 : f32 to vector<8x128xf32>
      %select_n3A_955 = arith.select %gt3A_949, %broadcast_in_dim3A_954, %select_n3A_920 : vector<8x128xi1>, vector<8x128xf32>
      %broadcast_in_dim3A_956 = vector.broadcast %get3A_272 : f32 to vector<8x128xf32>
      %select_n3A_957 = arith.select %gt3A_949, %broadcast_in_dim3A_956, %select_n3A_922 : vector<8x128xi1>, vector<8x128xf32>
      %broadcast_in_dim3A_958 = vector.broadcast %get3A_276 : f32 to vector<8x128xf32>
      %select_n3A_959 = arith.select %gt3A_949, %broadcast_in_dim3A_958, %select_n3A_924 : vector<8x128xi1>, vector<8x128xf32>
      %broadcast_in_dim3A_960 = vector.broadcast %get3A_280 : f32 to vector<8x128xf32>
      %select_n3A_961 = arith.select %gt3A_949, %broadcast_in_dim3A_960, %select_n3A_926 : vector<8x128xi1>, vector<8x128xf32>
      %min3A_962 = vector.broadcast %get3A_292 : f32 to vector<8x128xf32>
      %min3A_963 = arith.minimumf %get3A_694, %min3A_962 : vector<8x128xf32>
      %max3A_964 = vector.broadcast %get3A_284 : f32 to vector<8x128xf32>
      %max3A_965 = arith.maximumf %get3A_682, %max3A_964 : vector<8x128xf32>
      %sub3A_966 = arith.subf %min3A_963, %max3A_965 : vector<8x128xf32>
      %max3A_967 = arith.constant 0.000000e+00 : f32
      %max3A_968 = vector.broadcast %max3A_967 : f32 to vector<8x128xf32>
      %max3A_969 = arith.maximumf %sub3A_966, %max3A_968 : vector<8x128xf32>
      %min3A_970 = vector.broadcast %get3A_296 : f32 to vector<8x128xf32>
      %min3A_971 = arith.minimumf %get3A_700, %min3A_970 : vector<8x128xf32>
      %max3A_972 = vector.broadcast %get3A_288 : f32 to vector<8x128xf32>
      %max3A_973 = arith.maximumf %get3A_688, %max3A_972 : vector<8x128xf32>
      %sub3A_974 = arith.subf %min3A_971, %max3A_973 : vector<8x128xf32>
      %max3A_975 = arith.constant 0.000000e+00 : f32
      %max3A_976 = vector.broadcast %max3A_975 : f32 to vector<8x128xf32>
      %max3A_977 = arith.maximumf %sub3A_974, %max3A_976 : vector<8x128xf32>
      %mul3A_978 = arith.mulf %max3A_969, %max3A_977 : vector<8x128xf32>
      %sub3A_979 = vector.broadcast %get3A_304 : f32 to vector<8x128xf32>
      %sub3A_980 = arith.subf %sub3A_979, %mul3A_978 : vector<8x128xf32>
      %add3A_981 = arith.addf %mul3A_714, %sub3A_980 : vector<8x128xf32>
      %mul3A_982 = arith.mulf %mul3A_978, %select_n3A_951 : vector<8x128xf32>
      %mul3A_983 = arith.mulf %select_n3A_950, %add3A_981 : vector<8x128xf32>
      %gt3A_984 = arith.cmpf ogt, %mul3A_982, %mul3A_983 : vector<8x128xf32>
      %select_n3A_985 = arith.select %gt3A_984, %mul3A_978, %select_n3A_950 : vector<8x128xi1>, vector<8x128xf32>
      %select_n3A_986 = arith.select %gt3A_984, %add3A_981, %select_n3A_951 : vector<8x128xi1>, vector<8x128xf32>
      %broadcast_in_dim3A_987 = vector.broadcast %get3A_300 : f32 to vector<8x128xf32>
      %select_n3A_988 = arith.select %gt3A_984, %broadcast_in_dim3A_987, %select_n3A_953 : vector<8x128xi1>, vector<8x128xf32>
      %broadcast_in_dim3A_989 = vector.broadcast %get3A_308 : f32 to vector<8x128xf32>
      %select_n3A_990 = arith.select %gt3A_984, %broadcast_in_dim3A_989, %select_n3A_955 : vector<8x128xi1>, vector<8x128xf32>
      %broadcast_in_dim3A_991 = vector.broadcast %get3A_312 : f32 to vector<8x128xf32>
      %select_n3A_992 = arith.select %gt3A_984, %broadcast_in_dim3A_991, %select_n3A_957 : vector<8x128xi1>, vector<8x128xf32>
      %broadcast_in_dim3A_993 = vector.broadcast %get3A_316 : f32 to vector<8x128xf32>
      %select_n3A_994 = arith.select %gt3A_984, %broadcast_in_dim3A_993, %select_n3A_959 : vector<8x128xi1>, vector<8x128xf32>
      %broadcast_in_dim3A_995 = vector.broadcast %get3A_320 : f32 to vector<8x128xf32>
      %select_n3A_996 = arith.select %gt3A_984, %broadcast_in_dim3A_995, %select_n3A_961 : vector<8x128xi1>, vector<8x128xf32>
      %min3A_997 = vector.broadcast %get3A_332 : f32 to vector<8x128xf32>
      %min3A_998 = arith.minimumf %get3A_694, %min3A_997 : vector<8x128xf32>
      %max3A_999 = vector.broadcast %get3A_324 : f32 to vector<8x128xf32>
      %max3A_1000 = arith.maximumf %get3A_682, %max3A_999 : vector<8x128xf32>
      %sub3A_1001 = arith.subf %min3A_998, %max3A_1000 : vector<8x128xf32>
      %max3A_1002 = arith.constant 0.000000e+00 : f32
      %max3A_1003 = vector.broadcast %max3A_1002 : f32 to vector<8x128xf32>
      %max3A_1004 = arith.maximumf %sub3A_1001, %max3A_1003 : vector<8x128xf32>
      %min3A_1005 = vector.broadcast %get3A_336 : f32 to vector<8x128xf32>
      %min3A_1006 = arith.minimumf %get3A_700, %min3A_1005 : vector<8x128xf32>
      %max3A_1007 = vector.broadcast %get3A_328 : f32 to vector<8x128xf32>
      %max3A_1008 = arith.maximumf %get3A_688, %max3A_1007 : vector<8x128xf32>
      %sub3A_1009 = arith.subf %min3A_1006, %max3A_1008 : vector<8x128xf32>
      %max3A_1010 = arith.constant 0.000000e+00 : f32
      %max3A_1011 = vector.broadcast %max3A_1010 : f32 to vector<8x128xf32>
      %max3A_1012 = arith.maximumf %sub3A_1009, %max3A_1011 : vector<8x128xf32>
      %mul3A_1013 = arith.mulf %max3A_1004, %max3A_1012 : vector<8x128xf32>
      %sub3A_1014 = vector.broadcast %get3A_344 : f32 to vector<8x128xf32>
      %sub3A_1015 = arith.subf %sub3A_1014, %mul3A_1013 : vector<8x128xf32>
      %add3A_1016 = arith.addf %mul3A_714, %sub3A_1015 : vector<8x128xf32>
      %mul3A_1017 = arith.mulf %mul3A_1013, %select_n3A_986 : vector<8x128xf32>
      %mul3A_1018 = arith.mulf %select_n3A_985, %add3A_1016 : vector<8x128xf32>
      %gt3A_1019 = arith.cmpf ogt, %mul3A_1017, %mul3A_1018 : vector<8x128xf32>
      %select_n3A_1020 = arith.select %gt3A_1019, %mul3A_1013, %select_n3A_985 : vector<8x128xi1>, vector<8x128xf32>
      %select_n3A_1021 = arith.select %gt3A_1019, %add3A_1016, %select_n3A_986 : vector<8x128xi1>, vector<8x128xf32>
      %broadcast_in_dim3A_1022 = vector.broadcast %get3A_340 : f32 to vector<8x128xf32>
      %select_n3A_1023 = arith.select %gt3A_1019, %broadcast_in_dim3A_1022, %select_n3A_988 : vector<8x128xi1>, vector<8x128xf32>
      %broadcast_in_dim3A_1024 = vector.broadcast %get3A_348 : f32 to vector<8x128xf32>
      %select_n3A_1025 = arith.select %gt3A_1019, %broadcast_in_dim3A_1024, %select_n3A_990 : vector<8x128xi1>, vector<8x128xf32>
      %broadcast_in_dim3A_1026 = vector.broadcast %get3A_352 : f32 to vector<8x128xf32>
      %select_n3A_1027 = arith.select %gt3A_1019, %broadcast_in_dim3A_1026, %select_n3A_992 : vector<8x128xi1>, vector<8x128xf32>
      %broadcast_in_dim3A_1028 = vector.broadcast %get3A_356 : f32 to vector<8x128xf32>
      %select_n3A_1029 = arith.select %gt3A_1019, %broadcast_in_dim3A_1028, %select_n3A_994 : vector<8x128xi1>, vector<8x128xf32>
      %broadcast_in_dim3A_1030 = vector.broadcast %get3A_360 : f32 to vector<8x128xf32>
      %select_n3A_1031 = arith.select %gt3A_1019, %broadcast_in_dim3A_1030, %select_n3A_996 : vector<8x128xi1>, vector<8x128xf32>
      %min3A_1032 = vector.broadcast %get3A_372 : f32 to vector<8x128xf32>
      %min3A_1033 = arith.minimumf %get3A_694, %min3A_1032 : vector<8x128xf32>
      %max3A_1034 = vector.broadcast %get3A_364 : f32 to vector<8x128xf32>
      %max3A_1035 = arith.maximumf %get3A_682, %max3A_1034 : vector<8x128xf32>
      %sub3A_1036 = arith.subf %min3A_1033, %max3A_1035 : vector<8x128xf32>
      %max3A_1037 = arith.constant 0.000000e+00 : f32
      %max3A_1038 = vector.broadcast %max3A_1037 : f32 to vector<8x128xf32>
      %max3A_1039 = arith.maximumf %sub3A_1036, %max3A_1038 : vector<8x128xf32>
      %min3A_1040 = vector.broadcast %get3A_376 : f32 to vector<8x128xf32>
      %min3A_1041 = arith.minimumf %get3A_700, %min3A_1040 : vector<8x128xf32>
      %max3A_1042 = vector.broadcast %get3A_368 : f32 to vector<8x128xf32>
      %max3A_1043 = arith.maximumf %get3A_688, %max3A_1042 : vector<8x128xf32>
      %sub3A_1044 = arith.subf %min3A_1041, %max3A_1043 : vector<8x128xf32>
      %max3A_1045 = arith.constant 0.000000e+00 : f32
      %max3A_1046 = vector.broadcast %max3A_1045 : f32 to vector<8x128xf32>
      %max3A_1047 = arith.maximumf %sub3A_1044, %max3A_1046 : vector<8x128xf32>
      %mul3A_1048 = arith.mulf %max3A_1039, %max3A_1047 : vector<8x128xf32>
      %sub3A_1049 = vector.broadcast %get3A_384 : f32 to vector<8x128xf32>
      %sub3A_1050 = arith.subf %sub3A_1049, %mul3A_1048 : vector<8x128xf32>
      %add3A_1051 = arith.addf %mul3A_714, %sub3A_1050 : vector<8x128xf32>
      %mul3A_1052 = arith.mulf %mul3A_1048, %select_n3A_1021 : vector<8x128xf32>
      %mul3A_1053 = arith.mulf %select_n3A_1020, %add3A_1051 : vector<8x128xf32>
      %gt3A_1054 = arith.cmpf ogt, %mul3A_1052, %mul3A_1053 : vector<8x128xf32>
      %select_n3A_1055 = arith.select %gt3A_1054, %mul3A_1048, %select_n3A_1020 : vector<8x128xi1>, vector<8x128xf32>
      %select_n3A_1056 = arith.select %gt3A_1054, %add3A_1051, %select_n3A_1021 : vector<8x128xi1>, vector<8x128xf32>
      %broadcast_in_dim3A_1057 = vector.broadcast %get3A_380 : f32 to vector<8x128xf32>
      %select_n3A_1058 = arith.select %gt3A_1054, %broadcast_in_dim3A_1057, %select_n3A_1023 : vector<8x128xi1>, vector<8x128xf32>
      %broadcast_in_dim3A_1059 = vector.broadcast %get3A_388 : f32 to vector<8x128xf32>
      %select_n3A_1060 = arith.select %gt3A_1054, %broadcast_in_dim3A_1059, %select_n3A_1025 : vector<8x128xi1>, vector<8x128xf32>
      %broadcast_in_dim3A_1061 = vector.broadcast %get3A_392 : f32 to vector<8x128xf32>
      %select_n3A_1062 = arith.select %gt3A_1054, %broadcast_in_dim3A_1061, %select_n3A_1027 : vector<8x128xi1>, vector<8x128xf32>
      %broadcast_in_dim3A_1063 = vector.broadcast %get3A_396 : f32 to vector<8x128xf32>
      %select_n3A_1064 = arith.select %gt3A_1054, %broadcast_in_dim3A_1063, %select_n3A_1029 : vector<8x128xi1>, vector<8x128xf32>
      %broadcast_in_dim3A_1065 = vector.broadcast %get3A_400 : f32 to vector<8x128xf32>
      %select_n3A_1066 = arith.select %gt3A_1054, %broadcast_in_dim3A_1065, %select_n3A_1031 : vector<8x128xi1>, vector<8x128xf32>
      %min3A_1067 = vector.broadcast %get3A_412 : f32 to vector<8x128xf32>
      %min3A_1068 = arith.minimumf %get3A_694, %min3A_1067 : vector<8x128xf32>
      %max3A_1069 = vector.broadcast %get3A_404 : f32 to vector<8x128xf32>
      %max3A_1070 = arith.maximumf %get3A_682, %max3A_1069 : vector<8x128xf32>
      %sub3A_1071 = arith.subf %min3A_1068, %max3A_1070 : vector<8x128xf32>
      %max3A_1072 = arith.constant 0.000000e+00 : f32
      %max3A_1073 = vector.broadcast %max3A_1072 : f32 to vector<8x128xf32>
      %max3A_1074 = arith.maximumf %sub3A_1071, %max3A_1073 : vector<8x128xf32>
      %min3A_1075 = vector.broadcast %get3A_416 : f32 to vector<8x128xf32>
      %min3A_1076 = arith.minimumf %get3A_700, %min3A_1075 : vector<8x128xf32>
      %max3A_1077 = vector.broadcast %get3A_408 : f32 to vector<8x128xf32>
      %max3A_1078 = arith.maximumf %get3A_688, %max3A_1077 : vector<8x128xf32>
      %sub3A_1079 = arith.subf %min3A_1076, %max3A_1078 : vector<8x128xf32>
      %max3A_1080 = arith.constant 0.000000e+00 : f32
      %max3A_1081 = vector.broadcast %max3A_1080 : f32 to vector<8x128xf32>
      %max3A_1082 = arith.maximumf %sub3A_1079, %max3A_1081 : vector<8x128xf32>
      %mul3A_1083 = arith.mulf %max3A_1074, %max3A_1082 : vector<8x128xf32>
      %sub3A_1084 = vector.broadcast %get3A_424 : f32 to vector<8x128xf32>
      %sub3A_1085 = arith.subf %sub3A_1084, %mul3A_1083 : vector<8x128xf32>
      %add3A_1086 = arith.addf %mul3A_714, %sub3A_1085 : vector<8x128xf32>
      %mul3A_1087 = arith.mulf %mul3A_1083, %select_n3A_1056 : vector<8x128xf32>
      %mul3A_1088 = arith.mulf %select_n3A_1055, %add3A_1086 : vector<8x128xf32>
      %gt3A_1089 = arith.cmpf ogt, %mul3A_1087, %mul3A_1088 : vector<8x128xf32>
      %select_n3A_1090 = arith.select %gt3A_1089, %mul3A_1083, %select_n3A_1055 : vector<8x128xi1>, vector<8x128xf32>
      %select_n3A_1091 = arith.select %gt3A_1089, %add3A_1086, %select_n3A_1056 : vector<8x128xi1>, vector<8x128xf32>
      %broadcast_in_dim3A_1092 = vector.broadcast %get3A_420 : f32 to vector<8x128xf32>
      %select_n3A_1093 = arith.select %gt3A_1089, %broadcast_in_dim3A_1092, %select_n3A_1058 : vector<8x128xi1>, vector<8x128xf32>
      %broadcast_in_dim3A_1094 = vector.broadcast %get3A_428 : f32 to vector<8x128xf32>
      %select_n3A_1095 = arith.select %gt3A_1089, %broadcast_in_dim3A_1094, %select_n3A_1060 : vector<8x128xi1>, vector<8x128xf32>
      %broadcast_in_dim3A_1096 = vector.broadcast %get3A_432 : f32 to vector<8x128xf32>
      %select_n3A_1097 = arith.select %gt3A_1089, %broadcast_in_dim3A_1096, %select_n3A_1062 : vector<8x128xi1>, vector<8x128xf32>
      %broadcast_in_dim3A_1098 = vector.broadcast %get3A_436 : f32 to vector<8x128xf32>
      %select_n3A_1099 = arith.select %gt3A_1089, %broadcast_in_dim3A_1098, %select_n3A_1064 : vector<8x128xi1>, vector<8x128xf32>
      %broadcast_in_dim3A_1100 = vector.broadcast %get3A_440 : f32 to vector<8x128xf32>
      %select_n3A_1101 = arith.select %gt3A_1089, %broadcast_in_dim3A_1100, %select_n3A_1066 : vector<8x128xi1>, vector<8x128xf32>
      %min3A_1102 = vector.broadcast %get3A_452 : f32 to vector<8x128xf32>
      %min3A_1103 = arith.minimumf %get3A_694, %min3A_1102 : vector<8x128xf32>
      %max3A_1104 = vector.broadcast %get3A_444 : f32 to vector<8x128xf32>
      %max3A_1105 = arith.maximumf %get3A_682, %max3A_1104 : vector<8x128xf32>
      %sub3A_1106 = arith.subf %min3A_1103, %max3A_1105 : vector<8x128xf32>
      %max3A_1107 = arith.constant 0.000000e+00 : f32
      %max3A_1108 = vector.broadcast %max3A_1107 : f32 to vector<8x128xf32>
      %max3A_1109 = arith.maximumf %sub3A_1106, %max3A_1108 : vector<8x128xf32>
      %min3A_1110 = vector.broadcast %get3A_456 : f32 to vector<8x128xf32>
      %min3A_1111 = arith.minimumf %get3A_700, %min3A_1110 : vector<8x128xf32>
      %max3A_1112 = vector.broadcast %get3A_448 : f32 to vector<8x128xf32>
      %max3A_1113 = arith.maximumf %get3A_688, %max3A_1112 : vector<8x128xf32>
      %sub3A_1114 = arith.subf %min3A_1111, %max3A_1113 : vector<8x128xf32>
      %max3A_1115 = arith.constant 0.000000e+00 : f32
      %max3A_1116 = vector.broadcast %max3A_1115 : f32 to vector<8x128xf32>
      %max3A_1117 = arith.maximumf %sub3A_1114, %max3A_1116 : vector<8x128xf32>
      %mul3A_1118 = arith.mulf %max3A_1109, %max3A_1117 : vector<8x128xf32>
      %sub3A_1119 = vector.broadcast %get3A_464 : f32 to vector<8x128xf32>
      %sub3A_1120 = arith.subf %sub3A_1119, %mul3A_1118 : vector<8x128xf32>
      %add3A_1121 = arith.addf %mul3A_714, %sub3A_1120 : vector<8x128xf32>
      %mul3A_1122 = arith.mulf %mul3A_1118, %select_n3A_1091 : vector<8x128xf32>
      %mul3A_1123 = arith.mulf %select_n3A_1090, %add3A_1121 : vector<8x128xf32>
      %gt3A_1124 = arith.cmpf ogt, %mul3A_1122, %mul3A_1123 : vector<8x128xf32>
      %select_n3A_1125 = arith.select %gt3A_1124, %mul3A_1118, %select_n3A_1090 : vector<8x128xi1>, vector<8x128xf32>
      %select_n3A_1126 = arith.select %gt3A_1124, %add3A_1121, %select_n3A_1091 : vector<8x128xi1>, vector<8x128xf32>
      %broadcast_in_dim3A_1127 = vector.broadcast %get3A_460 : f32 to vector<8x128xf32>
      %select_n3A_1128 = arith.select %gt3A_1124, %broadcast_in_dim3A_1127, %select_n3A_1093 : vector<8x128xi1>, vector<8x128xf32>
      %broadcast_in_dim3A_1129 = vector.broadcast %get3A_468 : f32 to vector<8x128xf32>
      %select_n3A_1130 = arith.select %gt3A_1124, %broadcast_in_dim3A_1129, %select_n3A_1095 : vector<8x128xi1>, vector<8x128xf32>
      %broadcast_in_dim3A_1131 = vector.broadcast %get3A_472 : f32 to vector<8x128xf32>
      %select_n3A_1132 = arith.select %gt3A_1124, %broadcast_in_dim3A_1131, %select_n3A_1097 : vector<8x128xi1>, vector<8x128xf32>
      %broadcast_in_dim3A_1133 = vector.broadcast %get3A_476 : f32 to vector<8x128xf32>
      %select_n3A_1134 = arith.select %gt3A_1124, %broadcast_in_dim3A_1133, %select_n3A_1099 : vector<8x128xi1>, vector<8x128xf32>
      %broadcast_in_dim3A_1135 = vector.broadcast %get3A_480 : f32 to vector<8x128xf32>
      %select_n3A_1136 = arith.select %gt3A_1124, %broadcast_in_dim3A_1135, %select_n3A_1101 : vector<8x128xi1>, vector<8x128xf32>
      %min3A_1137 = vector.broadcast %get3A_492 : f32 to vector<8x128xf32>
      %min3A_1138 = arith.minimumf %get3A_694, %min3A_1137 : vector<8x128xf32>
      %max3A_1139 = vector.broadcast %get3A_484 : f32 to vector<8x128xf32>
      %max3A_1140 = arith.maximumf %get3A_682, %max3A_1139 : vector<8x128xf32>
      %sub3A_1141 = arith.subf %min3A_1138, %max3A_1140 : vector<8x128xf32>
      %max3A_1142 = arith.constant 0.000000e+00 : f32
      %max3A_1143 = vector.broadcast %max3A_1142 : f32 to vector<8x128xf32>
      %max3A_1144 = arith.maximumf %sub3A_1141, %max3A_1143 : vector<8x128xf32>
      %min3A_1145 = vector.broadcast %get3A_496 : f32 to vector<8x128xf32>
      %min3A_1146 = arith.minimumf %get3A_700, %min3A_1145 : vector<8x128xf32>
      %max3A_1147 = vector.broadcast %get3A_488 : f32 to vector<8x128xf32>
      %max3A_1148 = arith.maximumf %get3A_688, %max3A_1147 : vector<8x128xf32>
      %sub3A_1149 = arith.subf %min3A_1146, %max3A_1148 : vector<8x128xf32>
      %max3A_1150 = arith.constant 0.000000e+00 : f32
      %max3A_1151 = vector.broadcast %max3A_1150 : f32 to vector<8x128xf32>
      %max3A_1152 = arith.maximumf %sub3A_1149, %max3A_1151 : vector<8x128xf32>
      %mul3A_1153 = arith.mulf %max3A_1144, %max3A_1152 : vector<8x128xf32>
      %sub3A_1154 = vector.broadcast %get3A_504 : f32 to vector<8x128xf32>
      %sub3A_1155 = arith.subf %sub3A_1154, %mul3A_1153 : vector<8x128xf32>
      %add3A_1156 = arith.addf %mul3A_714, %sub3A_1155 : vector<8x128xf32>
      %mul3A_1157 = arith.mulf %mul3A_1153, %select_n3A_1126 : vector<8x128xf32>
      %mul3A_1158 = arith.mulf %select_n3A_1125, %add3A_1156 : vector<8x128xf32>
      %gt3A_1159 = arith.cmpf ogt, %mul3A_1157, %mul3A_1158 : vector<8x128xf32>
      %select_n3A_1160 = arith.select %gt3A_1159, %mul3A_1153, %select_n3A_1125 : vector<8x128xi1>, vector<8x128xf32>
      %select_n3A_1161 = arith.select %gt3A_1159, %add3A_1156, %select_n3A_1126 : vector<8x128xi1>, vector<8x128xf32>
      %broadcast_in_dim3A_1162 = vector.broadcast %get3A_500 : f32 to vector<8x128xf32>
      %select_n3A_1163 = arith.select %gt3A_1159, %broadcast_in_dim3A_1162, %select_n3A_1128 : vector<8x128xi1>, vector<8x128xf32>
      %broadcast_in_dim3A_1164 = vector.broadcast %get3A_508 : f32 to vector<8x128xf32>
      %select_n3A_1165 = arith.select %gt3A_1159, %broadcast_in_dim3A_1164, %select_n3A_1130 : vector<8x128xi1>, vector<8x128xf32>
      %broadcast_in_dim3A_1166 = vector.broadcast %get3A_512 : f32 to vector<8x128xf32>
      %select_n3A_1167 = arith.select %gt3A_1159, %broadcast_in_dim3A_1166, %select_n3A_1132 : vector<8x128xi1>, vector<8x128xf32>
      %broadcast_in_dim3A_1168 = vector.broadcast %get3A_516 : f32 to vector<8x128xf32>
      %select_n3A_1169 = arith.select %gt3A_1159, %broadcast_in_dim3A_1168, %select_n3A_1134 : vector<8x128xi1>, vector<8x128xf32>
      %broadcast_in_dim3A_1170 = vector.broadcast %get3A_520 : f32 to vector<8x128xf32>
      %select_n3A_1171 = arith.select %gt3A_1159, %broadcast_in_dim3A_1170, %select_n3A_1136 : vector<8x128xi1>, vector<8x128xf32>
      %min3A_1172 = vector.broadcast %get3A_532 : f32 to vector<8x128xf32>
      %min3A_1173 = arith.minimumf %get3A_694, %min3A_1172 : vector<8x128xf32>
      %max3A_1174 = vector.broadcast %get3A_524 : f32 to vector<8x128xf32>
      %max3A_1175 = arith.maximumf %get3A_682, %max3A_1174 : vector<8x128xf32>
      %sub3A_1176 = arith.subf %min3A_1173, %max3A_1175 : vector<8x128xf32>
      %max3A_1177 = arith.constant 0.000000e+00 : f32
      %max3A_1178 = vector.broadcast %max3A_1177 : f32 to vector<8x128xf32>
      %max3A_1179 = arith.maximumf %sub3A_1176, %max3A_1178 : vector<8x128xf32>
      %min3A_1180 = vector.broadcast %get3A_536 : f32 to vector<8x128xf32>
      %min3A_1181 = arith.minimumf %get3A_700, %min3A_1180 : vector<8x128xf32>
      %max3A_1182 = vector.broadcast %get3A_528 : f32 to vector<8x128xf32>
      %max3A_1183 = arith.maximumf %get3A_688, %max3A_1182 : vector<8x128xf32>
      %sub3A_1184 = arith.subf %min3A_1181, %max3A_1183 : vector<8x128xf32>
      %max3A_1185 = arith.constant 0.000000e+00 : f32
      %max3A_1186 = vector.broadcast %max3A_1185 : f32 to vector<8x128xf32>
      %max3A_1187 = arith.maximumf %sub3A_1184, %max3A_1186 : vector<8x128xf32>
      %mul3A_1188 = arith.mulf %max3A_1179, %max3A_1187 : vector<8x128xf32>
      %sub3A_1189 = vector.broadcast %get3A_544 : f32 to vector<8x128xf32>
      %sub3A_1190 = arith.subf %sub3A_1189, %mul3A_1188 : vector<8x128xf32>
      %add3A_1191 = arith.addf %mul3A_714, %sub3A_1190 : vector<8x128xf32>
      %mul3A_1192 = arith.mulf %mul3A_1188, %select_n3A_1161 : vector<8x128xf32>
      %mul3A_1193 = arith.mulf %select_n3A_1160, %add3A_1191 : vector<8x128xf32>
      %gt3A_1194 = arith.cmpf ogt, %mul3A_1192, %mul3A_1193 : vector<8x128xf32>
      %select_n3A_1195 = arith.select %gt3A_1194, %mul3A_1188, %select_n3A_1160 : vector<8x128xi1>, vector<8x128xf32>
      %select_n3A_1196 = arith.select %gt3A_1194, %add3A_1191, %select_n3A_1161 : vector<8x128xi1>, vector<8x128xf32>
      %broadcast_in_dim3A_1197 = vector.broadcast %get3A_540 : f32 to vector<8x128xf32>
      %select_n3A_1198 = arith.select %gt3A_1194, %broadcast_in_dim3A_1197, %select_n3A_1163 : vector<8x128xi1>, vector<8x128xf32>
      %broadcast_in_dim3A_1199 = vector.broadcast %get3A_548 : f32 to vector<8x128xf32>
      %select_n3A_1200 = arith.select %gt3A_1194, %broadcast_in_dim3A_1199, %select_n3A_1165 : vector<8x128xi1>, vector<8x128xf32>
      %broadcast_in_dim3A_1201 = vector.broadcast %get3A_552 : f32 to vector<8x128xf32>
      %select_n3A_1202 = arith.select %gt3A_1194, %broadcast_in_dim3A_1201, %select_n3A_1167 : vector<8x128xi1>, vector<8x128xf32>
      %broadcast_in_dim3A_1203 = vector.broadcast %get3A_556 : f32 to vector<8x128xf32>
      %select_n3A_1204 = arith.select %gt3A_1194, %broadcast_in_dim3A_1203, %select_n3A_1169 : vector<8x128xi1>, vector<8x128xf32>
      %broadcast_in_dim3A_1205 = vector.broadcast %get3A_560 : f32 to vector<8x128xf32>
      %select_n3A_1206 = arith.select %gt3A_1194, %broadcast_in_dim3A_1205, %select_n3A_1171 : vector<8x128xi1>, vector<8x128xf32>
      %min3A_1207 = vector.broadcast %get3A_572 : f32 to vector<8x128xf32>
      %min3A_1208 = arith.minimumf %get3A_694, %min3A_1207 : vector<8x128xf32>
      %max3A_1209 = vector.broadcast %get3A_564 : f32 to vector<8x128xf32>
      %max3A_1210 = arith.maximumf %get3A_682, %max3A_1209 : vector<8x128xf32>
      %sub3A_1211 = arith.subf %min3A_1208, %max3A_1210 : vector<8x128xf32>
      %max3A_1212 = arith.constant 0.000000e+00 : f32
      %max3A_1213 = vector.broadcast %max3A_1212 : f32 to vector<8x128xf32>
      %max3A_1214 = arith.maximumf %sub3A_1211, %max3A_1213 : vector<8x128xf32>
      %min3A_1215 = vector.broadcast %get3A_576 : f32 to vector<8x128xf32>
      %min3A_1216 = arith.minimumf %get3A_700, %min3A_1215 : vector<8x128xf32>
      %max3A_1217 = vector.broadcast %get3A_568 : f32 to vector<8x128xf32>
      %max3A_1218 = arith.maximumf %get3A_688, %max3A_1217 : vector<8x128xf32>
      %sub3A_1219 = arith.subf %min3A_1216, %max3A_1218 : vector<8x128xf32>
      %max3A_1220 = arith.constant 0.000000e+00 : f32
      %max3A_1221 = vector.broadcast %max3A_1220 : f32 to vector<8x128xf32>
      %max3A_1222 = arith.maximumf %sub3A_1219, %max3A_1221 : vector<8x128xf32>
      %mul3A_1223 = arith.mulf %max3A_1214, %max3A_1222 : vector<8x128xf32>
      %sub3A_1224 = vector.broadcast %get3A_584 : f32 to vector<8x128xf32>
      %sub3A_1225 = arith.subf %sub3A_1224, %mul3A_1223 : vector<8x128xf32>
      %add3A_1226 = arith.addf %mul3A_714, %sub3A_1225 : vector<8x128xf32>
      %mul3A_1227 = arith.mulf %mul3A_1223, %select_n3A_1196 : vector<8x128xf32>
      %mul3A_1228 = arith.mulf %select_n3A_1195, %add3A_1226 : vector<8x128xf32>
      %gt3A_1229 = arith.cmpf ogt, %mul3A_1227, %mul3A_1228 : vector<8x128xf32>
      %select_n3A_1230 = arith.select %gt3A_1229, %mul3A_1223, %select_n3A_1195 : vector<8x128xi1>, vector<8x128xf32>
      %select_n3A_1231 = arith.select %gt3A_1229, %add3A_1226, %select_n3A_1196 : vector<8x128xi1>, vector<8x128xf32>
      %broadcast_in_dim3A_1232 = vector.broadcast %get3A_580 : f32 to vector<8x128xf32>
      %select_n3A_1233 = arith.select %gt3A_1229, %broadcast_in_dim3A_1232, %select_n3A_1198 : vector<8x128xi1>, vector<8x128xf32>
      %broadcast_in_dim3A_1234 = vector.broadcast %get3A_588 : f32 to vector<8x128xf32>
      %select_n3A_1235 = arith.select %gt3A_1229, %broadcast_in_dim3A_1234, %select_n3A_1200 : vector<8x128xi1>, vector<8x128xf32>
      %broadcast_in_dim3A_1236 = vector.broadcast %get3A_592 : f32 to vector<8x128xf32>
      %select_n3A_1237 = arith.select %gt3A_1229, %broadcast_in_dim3A_1236, %select_n3A_1202 : vector<8x128xi1>, vector<8x128xf32>
      %broadcast_in_dim3A_1238 = vector.broadcast %get3A_596 : f32 to vector<8x128xf32>
      %select_n3A_1239 = arith.select %gt3A_1229, %broadcast_in_dim3A_1238, %select_n3A_1204 : vector<8x128xi1>, vector<8x128xf32>
      %broadcast_in_dim3A_1240 = vector.broadcast %get3A_600 : f32 to vector<8x128xf32>
      %select_n3A_1241 = arith.select %gt3A_1229, %broadcast_in_dim3A_1240, %select_n3A_1206 : vector<8x128xi1>, vector<8x128xf32>
      %min3A_1242 = vector.broadcast %get3A_612 : f32 to vector<8x128xf32>
      %min3A_1243 = arith.minimumf %get3A_694, %min3A_1242 : vector<8x128xf32>
      %max3A_1244 = vector.broadcast %get3A_604 : f32 to vector<8x128xf32>
      %max3A_1245 = arith.maximumf %get3A_682, %max3A_1244 : vector<8x128xf32>
      %sub3A_1246 = arith.subf %min3A_1243, %max3A_1245 : vector<8x128xf32>
      %max3A_1247 = arith.constant 0.000000e+00 : f32
      %max3A_1248 = vector.broadcast %max3A_1247 : f32 to vector<8x128xf32>
      %max3A_1249 = arith.maximumf %sub3A_1246, %max3A_1248 : vector<8x128xf32>
      %min3A_1250 = vector.broadcast %get3A_616 : f32 to vector<8x128xf32>
      %min3A_1251 = arith.minimumf %get3A_700, %min3A_1250 : vector<8x128xf32>
      %max3A_1252 = vector.broadcast %get3A_608 : f32 to vector<8x128xf32>
      %max3A_1253 = arith.maximumf %get3A_688, %max3A_1252 : vector<8x128xf32>
      %sub3A_1254 = arith.subf %min3A_1251, %max3A_1253 : vector<8x128xf32>
      %max3A_1255 = arith.constant 0.000000e+00 : f32
      %max3A_1256 = vector.broadcast %max3A_1255 : f32 to vector<8x128xf32>
      %max3A_1257 = arith.maximumf %sub3A_1254, %max3A_1256 : vector<8x128xf32>
      %mul3A_1258 = arith.mulf %max3A_1249, %max3A_1257 : vector<8x128xf32>
      %sub3A_1259 = vector.broadcast %get3A_624 : f32 to vector<8x128xf32>
      %sub3A_1260 = arith.subf %sub3A_1259, %mul3A_1258 : vector<8x128xf32>
      %add3A_1261 = arith.addf %mul3A_714, %sub3A_1260 : vector<8x128xf32>
      %mul3A_1262 = arith.mulf %mul3A_1258, %select_n3A_1231 : vector<8x128xf32>
      %mul3A_1263 = arith.mulf %select_n3A_1230, %add3A_1261 : vector<8x128xf32>
      %gt3A_1264 = arith.cmpf ogt, %mul3A_1262, %mul3A_1263 : vector<8x128xf32>
      %select_n3A_1265 = arith.select %gt3A_1264, %mul3A_1258, %select_n3A_1230 : vector<8x128xi1>, vector<8x128xf32>
      %select_n3A_1266 = arith.select %gt3A_1264, %add3A_1261, %select_n3A_1231 : vector<8x128xi1>, vector<8x128xf32>
      %broadcast_in_dim3A_1267 = vector.broadcast %get3A_620 : f32 to vector<8x128xf32>
      %select_n3A_1268 = arith.select %gt3A_1264, %broadcast_in_dim3A_1267, %select_n3A_1233 : vector<8x128xi1>, vector<8x128xf32>
      %broadcast_in_dim3A_1269 = vector.broadcast %get3A_628 : f32 to vector<8x128xf32>
      %select_n3A_1270 = arith.select %gt3A_1264, %broadcast_in_dim3A_1269, %select_n3A_1235 : vector<8x128xi1>, vector<8x128xf32>
      %broadcast_in_dim3A_1271 = vector.broadcast %get3A_632 : f32 to vector<8x128xf32>
      %select_n3A_1272 = arith.select %gt3A_1264, %broadcast_in_dim3A_1271, %select_n3A_1237 : vector<8x128xi1>, vector<8x128xf32>
      %broadcast_in_dim3A_1273 = vector.broadcast %get3A_636 : f32 to vector<8x128xf32>
      %select_n3A_1274 = arith.select %gt3A_1264, %broadcast_in_dim3A_1273, %select_n3A_1239 : vector<8x128xi1>, vector<8x128xf32>
      %broadcast_in_dim3A_1275 = vector.broadcast %get3A_640 : f32 to vector<8x128xf32>
      %select_n3A_1276 = arith.select %gt3A_1264, %broadcast_in_dim3A_1275, %select_n3A_1241 : vector<8x128xi1>, vector<8x128xf32>
      %mul3A_1277 = arith.constant 5.000000e-01 : f32
      %mul3A_1278 = vector.broadcast %mul3A_1277 : f32 to vector<8x128xf32>
      %mul3A_1279 = arith.mulf %mul3A_1278, %select_n3A_1266 : vector<8x128xf32>
      %gt3A_1280 = arith.cmpf ogt, %select_n3A_1265, %mul3A_1279 : vector<8x128xf32>
      %and3A_1281 = arith.andi %and3A_712, %gt3A_1280 : vector<8x128xi1>
      %mul3A_1282 = arith.constant 4.000000e-01 : f32
      %mul3A_1283 = vector.broadcast %mul3A_1282 : f32 to vector<8x128xf32>
      %mul3A_1284 = arith.mulf %mul3A_1283, %select_n3A_1266 : vector<8x128xf32>
      %lt3A_1285 = arith.cmpf olt, %select_n3A_1265, %mul3A_1284 : vector<8x128xf32>
      %mul3A_1286 = arith.constant 5.000000e-01 : f32
      %mul3A_1287 = vector.broadcast %mul3A_1286 : f32 to vector<8x128xf32>
      %mul3A_1288 = arith.mulf %mul3A_1287, %select_n3A_1266 : vector<8x128xf32>
      %gt3A_1289 = arith.cmpf ogt, %select_n3A_1265, %mul3A_1288 : vector<8x128xf32>
      %or3A = arith.ori %lt3A_1285, %gt3A_1289 : vector<8x128xi1>
      %and3A_1290 = arith.andi %and3A_712, %or3A : vector<8x128xi1>
      %jit3A = arith.constant 7.500000e-01 : f32
      %jit3A_1291 = arith.constant 0.000000e+00 : f32
      %broadcast_in_dim3A_1292 = vector.broadcast %jit3A : f32 to vector<8x128xf32>
      %broadcast_in_dim3A_1293 = vector.broadcast %jit3A_1291 : f32 to vector<8x128xf32>
      %select_n3A_1294 = arith.select %and3A_1290, %broadcast_in_dim3A_1292, %broadcast_in_dim3A_1293 : vector<8x128xi1>, vector<8x128xf32>
      %swap3A_1295 = arith.constant 0 : index
      %swap3A_1296 = arith.index_cast %mul3A_676 : i32 to index
      %swap3A_1297 = arith.constant 0 : index
      %swap3A_1298 = vector.load %arg5[%swap3A_1295, %swap3A_1296, %swap3A_1297] : memref<1x232x128xf32, #tpu.memory_space<vmem>>, vector<1x8x128xf32>
      %swap3A_1299 = vector.shape_cast %swap3A_1298 : vector<1x8x128xf32> to vector<8x128xf32>
      %swap3A_1300 = vector.shape_cast %select_n3A_1294 : vector<8x128xf32> to vector<1x8x128xf32>
      tpu.vector_store %arg5[%swap3A_1295, %swap3A_1296, %swap3A_1297], %swap3A_1300 {strides = array<i32>} : memref<1x232x128xf32, #tpu.memory_space<vmem>>, vector<1x8x128xf32>,
      %jit3A_1301 = arith.constant -1.000000e+00 : f32
      %broadcast_in_dim3A_1302 = vector.broadcast %jit3A_1301 : f32 to vector<8x128xf32>
      %select_n3A_1303 = arith.select %and3A_1281, %select_n3A_1268, %broadcast_in_dim3A_1302 : vector<8x128xi1>, vector<8x128xf32>
      %convert_element_type3A_1304 = arith.fptosi %select_n3A_1303 : vector<8x128xf32> to vector<8x128xi32>
      %swap3A_1305 = arith.constant 0 : index
      %swap3A_1306 = arith.index_cast %mul3A_676 : i32 to index
      %swap3A_1307 = arith.constant 0 : index
      %swap3A_1308 = vector.load %arg6[%swap3A_1305, %swap3A_1306, %swap3A_1307] : memref<1x232x128xi32, #tpu.memory_space<vmem>>, vector<1x8x128xi32>
      %swap3A_1309 = vector.shape_cast %swap3A_1308 : vector<1x8x128xi32> to vector<8x128xi32>
      %swap3A_1310 = vector.shape_cast %convert_element_type3A_1304 : vector<8x128xi32> to vector<1x8x128xi32>
      tpu.vector_store %arg6[%swap3A_1305, %swap3A_1306, %swap3A_1307], %swap3A_1310 {strides = array<i32>} : memref<1x232x128xi32, #tpu.memory_space<vmem>>, vector<1x8x128xi32>,
      %sub3A_1311 = arith.subf %select_n3A_1270, %add3A_718 : vector<8x128xf32>
      %div3A = arith.divf %sub3A_1311, %sub3A : vector<8x128xf32>
      %mul3A_1312 = arith.constant 1.000000e+01 : f32
      %mul3A_1313 = vector.broadcast %mul3A_1312 : f32 to vector<8x128xf32>
      %mul3A_1314 = arith.mulf %div3A, %mul3A_1313 : vector<8x128xf32>
      %sub3A_1315 = arith.subf %select_n3A_1272, %add3A_722 : vector<8x128xf32>
      %div3A_1316 = arith.divf %sub3A_1315, %sub3A_713 : vector<8x128xf32>
      %mul3A_1317 = arith.constant 1.000000e+01 : f32
      %mul3A_1318 = vector.broadcast %mul3A_1317 : f32 to vector<8x128xf32>
      %mul3A_1319 = arith.mulf %div3A_1316, %mul3A_1318 : vector<8x128xf32>
      %log3A = math.log %sub3A : vector<8x128xf32>
      %sub3A_1320 = arith.subf %select_n3A_1274, %log3A : vector<8x128xf32>
      %mul3A_1321 = arith.constant 5.000000e+00 : f32
      %mul3A_1322 = vector.broadcast %mul3A_1321 : f32 to vector<8x128xf32>
      %mul3A_1323 = arith.mulf %sub3A_1320, %mul3A_1322 : vector<8x128xf32>
      %log3A_1324 = math.log %sub3A_713 : vector<8x128xf32>
      %sub3A_1325 = arith.subf %select_n3A_1276, %log3A_1324 : vector<8x128xf32>
      %mul3A_1326 = arith.constant 5.000000e+00 : f32
      %mul3A_1327 = vector.broadcast %mul3A_1326 : f32 to vector<8x128xf32>
      %mul3A_1328 = arith.mulf %sub3A_1325, %mul3A_1327 : vector<8x128xf32>
      %get3A_1329 = arith.constant 0 : index
      %get3A_1330 = arith.constant 0 : index
      %get3A_1331 = arith.index_cast %mul3A_676 : i32 to index
      %get3A_1332 = arith.constant 0 : index
      %get3A_1333 = vector.load %arg4[%get3A_1329, %get3A_1330, %get3A_1331, %get3A_1332] : memref<1x4x232x128xf32, #tpu.memory_space<vmem>>, vector<1x1x8x128xf32>
      %get3A_1334 = vector.shape_cast %get3A_1333 : vector<1x1x8x128xf32> to vector<8x128xf32>
      %sub3A_1335 = arith.subf %get3A_1334, %mul3A_1314 : vector<8x128xf32>
      %abs3A = math.absf %sub3A_1335 : vector<8x128xf32>
      %ge3A = arith.constant 0.111111112 : f32
      %ge3A_1336 = vector.broadcast %ge3A : f32 to vector<8x128xf32>
      %ge3A_1337 = arith.cmpf oge, %abs3A, %ge3A_1336 : vector<8x128xf32>
      %sub3A_1338 = arith.constant 0.055555556 : f32
      %sub3A_1339 = vector.broadcast %sub3A_1338 : f32 to vector<8x128xf32>
      %sub3A_1340 = arith.subf %abs3A, %sub3A_1339 : vector<8x128xf32>
      %mul3A_1341 = arith.mulf %abs3A, %abs3A : vector<8x128xf32>
      %mul3A_1342 = arith.constant 4.500000e+00 : f32
      %mul3A_1343 = vector.broadcast %mul3A_1342 : f32 to vector<8x128xf32>
      %mul3A_1344 = arith.mulf %mul3A_1343, %mul3A_1341 : vector<8x128xf32>
      %select_n3A_1345 = arith.select %ge3A_1337, %sub3A_1340, %mul3A_1344 : vector<8x128xi1>, vector<8x128xf32>
      %get3A_1346 = arith.constant 0 : index
      %get3A_1347 = arith.constant 1 : index
      %get3A_1348 = arith.index_cast %mul3A_676 : i32 to index
      %get3A_1349 = arith.constant 0 : index
      %get3A_1350 = vector.load %arg4[%get3A_1346, %get3A_1347, %get3A_1348, %get3A_1349] : memref<1x4x232x128xf32, #tpu.memory_space<vmem>>, vector<1x1x8x128xf32>
      %get3A_1351 = vector.shape_cast %get3A_1350 : vector<1x1x8x128xf32> to vector<8x128xf32>
      %sub3A_1352 = arith.subf %get3A_1351, %mul3A_1319 : vector<8x128xf32>
      %abs3A_1353 = math.absf %sub3A_1352 : vector<8x128xf32>
      %ge3A_1354 = arith.constant 0.111111112 : f32
      %ge3A_1355 = vector.broadcast %ge3A_1354 : f32 to vector<8x128xf32>
      %ge3A_1356 = arith.cmpf oge, %abs3A_1353, %ge3A_1355 : vector<8x128xf32>
      %sub3A_1357 = arith.constant 0.055555556 : f32
      %sub3A_1358 = vector.broadcast %sub3A_1357 : f32 to vector<8x128xf32>
      %sub3A_1359 = arith.subf %abs3A_1353, %sub3A_1358 : vector<8x128xf32>
      %mul3A_1360 = arith.mulf %abs3A_1353, %abs3A_1353 : vector<8x128xf32>
      %mul3A_1361 = arith.constant 4.500000e+00 : f32
      %mul3A_1362 = vector.broadcast %mul3A_1361 : f32 to vector<8x128xf32>
      %mul3A_1363 = arith.mulf %mul3A_1362, %mul3A_1360 : vector<8x128xf32>
      %select_n3A_1364 = arith.select %ge3A_1356, %sub3A_1359, %mul3A_1363 : vector<8x128xi1>, vector<8x128xf32>
      %add3A_1365 = arith.addf %select_n3A_1345, %select_n3A_1364 : vector<8x128xf32>
      %get3A_1366 = arith.constant 0 : index
      %get3A_1367 = arith.constant 2 : index
      %get3A_1368 = arith.index_cast %mul3A_676 : i32 to index
      %get3A_1369 = arith.constant 0 : index
      %get3A_1370 = vector.load %arg4[%get3A_1366, %get3A_1367, %get3A_1368, %get3A_1369] : memref<1x4x232x128xf32, #tpu.memory_space<vmem>>, vector<1x1x8x128xf32>
      %get3A_1371 = vector.shape_cast %get3A_1370 : vector<1x1x8x128xf32> to vector<8x128xf32>
      %sub3A_1372 = arith.subf %get3A_1371, %mul3A_1323 : vector<8x128xf32>
      %abs3A_1373 = math.absf %sub3A_1372 : vector<8x128xf32>
      %ge3A_1374 = arith.constant 0.111111112 : f32
      %ge3A_1375 = vector.broadcast %ge3A_1374 : f32 to vector<8x128xf32>
      %ge3A_1376 = arith.cmpf oge, %abs3A_1373, %ge3A_1375 : vector<8x128xf32>
      %sub3A_1377 = arith.constant 0.055555556 : f32
      %sub3A_1378 = vector.broadcast %sub3A_1377 : f32 to vector<8x128xf32>
      %sub3A_1379 = arith.subf %abs3A_1373, %sub3A_1378 : vector<8x128xf32>
      %mul3A_1380 = arith.mulf %abs3A_1373, %abs3A_1373 : vector<8x128xf32>
      %mul3A_1381 = arith.constant 4.500000e+00 : f32
      %mul3A_1382 = vector.broadcast %mul3A_1381 : f32 to vector<8x128xf32>
      %mul3A_1383 = arith.mulf %mul3A_1382, %mul3A_1380 : vector<8x128xf32>
      %select_n3A_1384 = arith.select %ge3A_1376, %sub3A_1379, %mul3A_1383 : vector<8x128xi1>, vector<8x128xf32>
      %add3A_1385 = arith.addf %add3A_1365, %select_n3A_1384 : vector<8x128xf32>
      %get3A_1386 = arith.constant 0 : index
      %get3A_1387 = arith.constant 3 : index
      %get3A_1388 = arith.index_cast %mul3A_676 : i32 to index
      %get3A_1389 = arith.constant 0 : index
      %get3A_1390 = vector.load %arg4[%get3A_1386, %get3A_1387, %get3A_1388, %get3A_1389] : memref<1x4x232x128xf32, #tpu.memory_space<vmem>>, vector<1x1x8x128xf32>
      %get3A_1391 = vector.shape_cast %get3A_1390 : vector<1x1x8x128xf32> to vector<8x128xf32>
      %sub3A_1392 = arith.subf %get3A_1391, %mul3A_1328 : vector<8x128xf32>
      %abs3A_1393 = math.absf %sub3A_1392 : vector<8x128xf32>
      %ge3A_1394 = arith.constant 0.111111112 : f32
      %ge3A_1395 = vector.broadcast %ge3A_1394 : f32 to vector<8x128xf32>
      %ge3A_1396 = arith.cmpf oge, %abs3A_1393, %ge3A_1395 : vector<8x128xf32>
      %sub3A_1397 = arith.constant 0.055555556 : f32
      %sub3A_1398 = vector.broadcast %sub3A_1397 : f32 to vector<8x128xf32>
      %sub3A_1399 = arith.subf %abs3A_1393, %sub3A_1398 : vector<8x128xf32>
      %mul3A_1400 = arith.mulf %abs3A_1393, %abs3A_1393 : vector<8x128xf32>
      %mul3A_1401 = arith.constant 4.500000e+00 : f32
      %mul3A_1402 = vector.broadcast %mul3A_1401 : f32 to vector<8x128xf32>
      %mul3A_1403 = arith.mulf %mul3A_1402, %mul3A_1400 : vector<8x128xf32>
      %select_n3A_1404 = arith.select %ge3A_1396, %sub3A_1399, %mul3A_1403 : vector<8x128xi1>, vector<8x128xf32>
      %add3A_1405 = arith.addf %add3A_1385, %select_n3A_1404 : vector<8x128xf32>
      %mul3A_1406 = arith.constant 2.500000e-01 : f32
      %mul3A_1407 = vector.broadcast %mul3A_1406 : f32 to vector<8x128xf32>
      %mul3A_1408 = arith.mulf %add3A_1405, %mul3A_1407 : vector<8x128xf32>
      %jit3A_1409 = arith.constant 0.000000e+00 : f32
      %broadcast_in_dim3A_1410 = vector.broadcast %jit3A_1409 : f32 to vector<8x128xf32>
      %select_n3A_1411 = arith.select %and3A_1281, %mul3A_1408, %broadcast_in_dim3A_1410 : vector<8x128xi1>, vector<8x128xf32>
      %add3A_1412 = arith.addf %scan3A_674, %select_n3A_1411 : vector<8x128xf32>
      %jit3A_1413 = arith.constant 1.000000e+00 : f32
      %jit3A_1414 = arith.constant 0.000000e+00 : f32
      %broadcast_in_dim3A_1415 = vector.broadcast %jit3A_1413 : f32 to vector<8x128xf32>
      %broadcast_in_dim3A_1416 = vector.broadcast %jit3A_1414 : f32 to vector<8x128xf32>
      %select_n3A_1417 = arith.select %and3A_1281, %broadcast_in_dim3A_1415, %broadcast_in_dim3A_1416 : vector<8x128xi1>, vector<8x128xf32>
      %add3A_1418 = arith.addf %scan3A_675, %select_n3A_1417 : vector<8x128xf32>
      scf.yield %add3A_1412, %add3A_1418 : vector<8x128xf32>, vector<8x128xf32>
    }
    %scan3A_646 = arith.constant 29 : i32
    %get3A_647 = arith.index_cast %arg0 : i32 to index
    %get3A_648 = arith.constant 0 : index
    %get3A_649 = memref.load %arg8[%get3A_647, %get3A_648] : memref<2x2xf32, #tpu.memory_space<smem>>
    %reduce_sum3A = vector.shape_cast %scan3A_645#0 : vector<8x128xf32> to vector<1x8x128xf32>
    %reduce_sum3A_650 = arith.constant dense<0.000000e+00> : vector<1xf32>
    %reduce_sum3A_651 = vector.multi_reduction <add>, %reduce_sum3A, %reduce_sum3A_650 [1, 2] : vector<1x8x128xf32> to vector<1xf32>
    %reduce_sum3A_652 = vector.shape_cast %reduce_sum3A_651 : vector<1xf32> to vector<1x1x1xf32>
    %reduce_sum3A_653 = vector.extract %reduce_sum3A_652[0, 0, 0] : f32 from vector<1x1x1xf32>
    %add3A = arith.addf %get3A_649, %reduce_sum3A_653 : f32
    %swap3A = arith.index_cast %arg0 : i32 to index
    %swap3A_654 = arith.constant 0 : index
    %swap3A_655 = memref.load %arg8[%swap3A, %swap3A_654] : memref<2x2xf32, #tpu.memory_space<smem>>
    memref.store %add3A, %arg8[%swap3A, %swap3A_654] : memref<2x2xf32, #tpu.memory_space<smem>>
    %get3A_656 = arith.index_cast %arg0 : i32 to index
    %get3A_657 = arith.constant 1 : index
    %get3A_658 = memref.load %arg8[%get3A_656, %get3A_657] : memref<2x2xf32, #tpu.memory_space<smem>>
    %reduce_sum3A_659 = vector.shape_cast %scan3A_645#1 : vector<8x128xf32> to vector<1x8x128xf32>
    %reduce_sum3A_660 = arith.constant dense<0.000000e+00> : vector<1xf32>
    %reduce_sum3A_661 = vector.multi_reduction <add>, %reduce_sum3A_659, %reduce_sum3A_660 [1, 2] : vector<1x8x128xf32> to vector<1xf32>
    %reduce_sum3A_662 = vector.shape_cast %reduce_sum3A_661 : vector<1xf32> to vector<1x1x1xf32>
    %reduce_sum3A_663 = vector.extract %reduce_sum3A_662[0, 0, 0] : f32 from vector<1x1x1xf32>
    %add3A_664 = arith.addf %get3A_658, %reduce_sum3A_663 : f32
    %swap3A_665 = arith.index_cast %arg0 : i32 to index
    %swap3A_666 = arith.constant 1 : index
    %swap3A_667 = memref.load %arg8[%swap3A_665, %swap3A_666] : memref<2x2xf32, #tpu.memory_space<smem>>
    memref.store %add3A_664, %arg8[%swap3A_665, %swap3A_666] : memref<2x2xf32, #tpu.memory_space<smem>>
    %eq3A_668 = arith.constant 3 : i32
    %eq3A_669 = arith.cmpi eq, %arg1, %eq3A_668 : i32
    %convert_element_type3A_670 = arith.extui %eq3A_669 : i1 to i32
    %cond3A_671 = arith.constant 0 : i32
    %cond3A_672 = arith.cmpi ne, %convert_element_type3A_670, %cond3A_671 : i32
    scf.if %cond3A_672 {
      %get3A_673 = arith.index_cast %arg0 : i32 to index
      %get3A_674 = arith.constant 0 : index
      %get3A_675 = memref.load %arg8[%get3A_673, %get3A_674] : memref<2x2xf32, #tpu.memory_space<smem>>
      %swap3A_676 = arith.index_cast %arg0 : i32 to index
      %swap3A_677 = arith.constant 0 : index
      %swap3A_678 = memref.load %arg7[%swap3A_676, %swap3A_677] : memref<2x2xf32, #tpu.memory_space<smem>>
      memref.store %get3A_675, %arg7[%swap3A_676, %swap3A_677] : memref<2x2xf32, #tpu.memory_space<smem>>
      %get3A_679 = arith.index_cast %arg0 : i32 to index
      %get3A_680 = arith.constant 1 : index
      %get3A_681 = memref.load %arg8[%get3A_679, %get3A_680] : memref<2x2xf32, #tpu.memory_space<smem>>
      %swap3A_682 = arith.index_cast %arg0 : i32 to index
      %swap3A_683 = arith.constant 1 : index
      %swap3A_684 = memref.load %arg7[%swap3A_682, %swap3A_683] : memref<2x2xf32, #tpu.memory_space<smem>>
      memref.store %get3A_681, %arg7[%swap3A_682, %swap3A_683] : memref<2x2xf32, #tpu.memory_space<smem>>
    } else {
    }
    return
  }
  func.func @transform_0(%arg0: i32, %arg1: i32) -> (i32, i32, i32) {
    %c0_i32 = arith.constant 0 : i32
    %c0_i32_0 = arith.constant 0 : i32
    %c0_i32_1 = arith.constant 0 : i32
    return %arg0, %c0_i32, %c0_i32_0 : i32, i32, i32
  }
  func.func @transform_1(%arg0: i32, %arg1: i32) -> (i32, i32, i32, i32) {
    %c0_i32 = arith.constant 0 : i32
    %c0_i32_0 = arith.constant 0 : i32
    %c0_i32_1 = arith.constant 0 : i32
    return %arg0, %c0_i32, %arg1, %c0_i32_0 : i32, i32, i32, i32
  }
  func.func @transform_2(%arg0: i32, %arg1: i32) -> (i32, i32, i32, i32) {
    %c0_i32 = arith.constant 0 : i32
    %c0_i32_0 = arith.constant 0 : i32
    %c0_i32_1 = arith.constant 0 : i32
    return %arg0, %c0_i32, %arg1, %c0_i32_0 : i32, i32, i32, i32
  }
  func.func @transform_3(%arg0: i32, %arg1: i32) -> (i32, i32, i32) {
    %c0_i32 = arith.constant 0 : i32
    %c0_i32_0 = arith.constant 0 : i32
    return %arg0, %arg1, %c0_i32 : i32, i32, i32
  }
  func.func @transform_4(%arg0: i32, %arg1: i32) -> (i32, i32, i32) {
    %c0_i32 = arith.constant 0 : i32
    %c0_i32_0 = arith.constant 0 : i32
    return %arg0, %arg1, %c0_i32 : i32, i32, i32
  }
  func.func @transform_5(%arg0: i32, %arg1: i32) -> (i32, i32) {
    %c0_i32 = arith.constant 0 : i32
    %c0_i32_0 = arith.constant 0 : i32
    %c0_i32_1 = arith.constant 0 : i32
    return %c0_i32, %c0_i32_0 : i32, i32
  }
}

module attributes {stable_mosaic.version = 14 : i64} {
  func.func @_dense_krn(%arg0: i32, %arg1: i32, %arg2: memref<1x2048x80xf32, #tpu.memory_space<vmem>>, %arg3: memref<1x1x1x2048xf32, #tpu.memory_space<vmem>>, %arg4: memref<2xf32, #tpu.memory_space<smem>>, %arg5: memref<8x128xf32, #tpu.memory_space<vmem>>) attributes {dimension_semantics = [#tpu.dimension_semantics<arbitrary>, #tpu.dimension_semantics<arbitrary>], iteration_bounds = array<i64: 2, 58>, scalar_prefetch = 0 : i64, scratch_operands = 1 : i64, tpu.core_type = #tpu.core_type<tc>, window_params = [{transform_indices = @transform_0, window_bounds = array<i64: 1, 2048, 80>}, {transform_indices = @transform_1, window_bounds = array<i64: 1, 1, 1, 2048>}, {transform_indices = @transform_2, window_bounds = array<i64: 2>}]} {
    %eq3A = arith.constant 0 : i32
    %eq3A_0 = arith.cmpi eq, %arg1, %eq3A : i32
    %convert_element_type3A = arith.extui %eq3A_0 : i1 to i32
    %cond3A = arith.constant 0 : i32
    %cond3A_1 = arith.cmpi ne, %convert_element_type3A, %cond3A : i32
    scf.if %cond3A_1 {
      %broadcast_in_dim3A_35 = arith.constant 0.000000e+00 : f32
      %broadcast_in_dim3A_36 = vector.broadcast %broadcast_in_dim3A_35 : f32 to vector<8x128xf32>
      %swap3A_37 = arith.constant 0 : index
      %swap3A_38 = arith.constant 0 : index
      %swap3A_39 = vector.load %arg5[%swap3A_37, %swap3A_38] : memref<8x128xf32, #tpu.memory_space<vmem>>, vector<8x128xf32>
      tpu.vector_store %arg5[%swap3A_37, %swap3A_38], %broadcast_in_dim3A_36 {strides = array<i32>} : memref<8x128xf32, #tpu.memory_space<vmem>>, vector<8x128xf32>,
    } else {
    }
    %get3A = arith.constant 0 : index
    %get3A_2 = arith.constant 0 : index
    %get3A_3 = arith.constant 0 : index
    %get3A_4 = vector.load %arg2[%get3A, %get3A_2, %get3A_3] : memref<1x2048x80xf32, #tpu.memory_space<vmem>>, vector<1x2048x80xf32>
    %get3A_5 = vector.shape_cast %get3A_4 : vector<1x2048x80xf32> to vector<2048x80xf32>
    %get3A_6 = arith.constant 0 : index
    %get3A_7 = arith.constant 0 : index
    %get3A_8 = arith.constant 0 : index
    %get3A_9 = arith.constant 0 : index
    %get3A_10 = vector.load %arg3[%get3A_6, %get3A_7, %get3A_8, %get3A_9] : memref<1x1x1x2048xf32, #tpu.memory_space<vmem>>, vector<1x1x1x2048xf32>
    %get3A_11 = vector.shape_cast %get3A_10 : vector<1x1x1x2048xf32> to vector<1x2048xf32>
    %gt3A = arith.constant 9.99999974E-5 : f32
    %gt3A_12 = vector.broadcast %gt3A : f32 to vector<2048x80xf32>
    %gt3A_13 = arith.cmpf ogt, %get3A_5, %gt3A_12 : vector<2048x80xf32>
    %jit3A = arith.constant 9.99999974E-5 : f32
    %broadcast_in_dim3A = vector.broadcast %jit3A : f32 to vector<2048x80xf32>
    %select_n3A = arith.select %gt3A_13, %get3A_5, %broadcast_in_dim3A : vector<2048x80xi1>, vector<2048x80xf32>
    %lt3A = arith.constant 0.999899983 : f32
    %lt3A_14 = vector.broadcast %lt3A : f32 to vector<2048x80xf32>
    %lt3A_15 = arith.cmpf olt, %select_n3A, %lt3A_14 : vector<2048x80xf32>
    %jit3A_16 = arith.constant 0.999899983 : f32
    %broadcast_in_dim3A_17 = vector.broadcast %jit3A_16 : f32 to vector<2048x80xf32>
    %select_n3A_18 = arith.select %lt3A_15, %select_n3A, %broadcast_in_dim3A_17 : vector<2048x80xi1>, vector<2048x80xf32>
    %mul3A = arith.mulf %select_n3A_18, %select_n3A_18 : vector<2048x80xf32>
    %sub3A = arith.constant 1.000000e+00 : f32
    %sub3A_19 = vector.broadcast %sub3A : f32 to vector<2048x80xf32>
    %sub3A_20 = arith.subf %sub3A_19, %select_n3A_18 : vector<2048x80xf32>
    %log3A = math.log %sub3A_20 : vector<2048x80xf32>
    %neg3A = arith.constant 0.000000e+00 : f32
    %neg3A_21 = vector.broadcast %neg3A : f32 to vector<2048x80xf32>
    %neg3A_22 = arith.subf %neg3A_21, %log3A : vector<2048x80xf32>
    %mul3A_23 = arith.mulf %mul3A, %neg3A_22 : vector<2048x80xf32>
    %dot_general3A = arith.constant dense<0.000000e+00> : vector<1x80xf32>
    %dot_general3A_24 = tpu.matmul %get3A_11, %mul3A_23, %dot_general3A {dimension_numbers = #tpu.dot_dimension_numbers<[1], [0], [0], [1], [0, 0, 1, 1], [], []>, transpose_lhs_hint = false} : vector<1x2048xf32>, vector<2048x80xf32>, vector<1x80xf32> -> vector<1x80xf32>
    %get3A_25 = arith.constant 0 : index
    %get3A_26 = arith.constant 0 : index
    %get3A_27 = vector.load %arg5[%get3A_25, %get3A_26] : memref<8x128xf32, #tpu.memory_space<vmem>>, vector<1x80xf32>
    %add3A = arith.addf %get3A_27, %dot_general3A_24 : vector<1x80xf32>
    %swap3A = arith.constant 0 : index
    %swap3A_28 = arith.constant 0 : index
    %swap3A_29 = vector.load %arg5[%swap3A, %swap3A_28] : memref<8x128xf32, #tpu.memory_space<vmem>>, vector<1x80xf32>
    tpu.vector_store %arg5[%swap3A, %swap3A_28], %add3A {strides = array<i32>} : memref<8x128xf32, #tpu.memory_space<vmem>>, vector<1x80xf32>,
    %eq3A_30 = arith.constant 57 : i32
    %eq3A_31 = arith.cmpi eq, %arg1, %eq3A_30 : i32
    %convert_element_type3A_32 = arith.extui %eq3A_31 : i1 to i32
    %cond3A_33 = arith.constant 0 : i32
    %cond3A_34 = arith.cmpi ne, %convert_element_type3A_32, %cond3A_33 : i32
    scf.if %cond3A_34 {
      %get3A_35 = arith.constant 0 : index
      %get3A_36 = arith.constant 0 : index
      %get3A_37 = vector.load %arg5[%get3A_35, %get3A_36] : memref<8x128xf32, #tpu.memory_space<vmem>>, vector<1x80xf32>
      %reduce_sum3A = vector.shape_cast %get3A_37 : vector<1x80xf32> to vector<1x1x80xf32>
      %reduce_sum3A_38 = arith.constant dense<0.000000e+00> : vector<1xf32>
      %reduce_sum3A_39 = vector.multi_reduction <add>, %reduce_sum3A, %reduce_sum3A_38 [1, 2] : vector<1x1x80xf32> to vector<1xf32>
      %reduce_sum3A_40 = vector.shape_cast %reduce_sum3A_39 : vector<1xf32> to vector<1x1x1xf32>
      %reduce_sum3A_41 = vector.extract %reduce_sum3A_40[0, 0, 0] : f32 from vector<1x1x1xf32>
      %swap3A_42 = arith.index_cast %arg0 : i32 to index
      %swap3A_43 = memref.load %arg4[%swap3A_42] : memref<2xf32, #tpu.memory_space<smem>>
      memref.store %reduce_sum3A_41, %arg4[%swap3A_42] : memref<2xf32, #tpu.memory_space<smem>>
    } else {
    }
    return
  }
  func.func @transform_0(%arg0: i32, %arg1: i32) -> (i32, i32, i32) {
    %c0_i32 = arith.constant 0 : i32
    %c0_i32_0 = arith.constant 0 : i32
    return %arg0, %arg1, %c0_i32 : i32, i32, i32
  }
  func.func @transform_1(%arg0: i32, %arg1: i32) -> (i32, i32, i32, i32) {
    %c0_i32 = arith.constant 0 : i32
    %c0_i32_0 = arith.constant 0 : i32
    %c0_i32_1 = arith.constant 0 : i32
    return %arg0, %arg1, %c0_i32, %c0_i32_0 : i32, i32, i32, i32
  }
  func.func @transform_2(%arg0: i32, %arg1: i32) -> i32 {
    %c0_i32 = arith.constant 0 : i32
    %c0_i32_0 = arith.constant 0 : i32
    return %c0_i32 : i32
  }
}

module attributes {stable_mosaic.version = 14 : i64} {
  func.func @_corr_krn(%arg0: i32, %arg1: i32, %arg2: memref<2x2xf32, #tpu.memory_space<smem>>, %arg3: memref<2xf32, #tpu.memory_space<smem>>, %arg4: memref<1x232x128xi32, #tpu.memory_space<vmem>>, %arg5: memref<1x232x128xf32, #tpu.memory_space<vmem>>, %arg6: memref<2xf32, #tpu.memory_space<smem>>, %arg7: memref<2xf32, #tpu.memory_space<smem>>) attributes {dimension_semantics = [#tpu.dimension_semantics<arbitrary>, #tpu.dimension_semantics<arbitrary>], iteration_bounds = array<i64: 2, 4>, scalar_prefetch = 0 : i64, scratch_operands = 1 : i64, tpu.core_type = #tpu.core_type<tc>, window_params = [{transform_indices = @transform_0, window_bounds = array<i64: 2, 2>}, {transform_indices = @transform_1, window_bounds = array<i64: 2>}, {transform_indices = @transform_2, window_bounds = array<i64: 1, 232, 128>}, {transform_indices = @transform_3, window_bounds = array<i64: 1, 232, 128>}, {transform_indices = @transform_4, window_bounds = array<i64: 2>}]} {
    %eq3A = arith.constant 0 : i32
    %eq3A_0 = arith.cmpi eq, %arg1, %eq3A : i32
    %convert_element_type3A = arith.extui %eq3A_0 : i1 to i32
    %cond3A = arith.constant 0 : i32
    %cond3A_1 = arith.cmpi ne, %convert_element_type3A, %cond3A : i32
    scf.if %cond3A_1 {
      %swap3A_21 = arith.constant 0.000000e+00 : f32
      %swap3A_22 = arith.index_cast %arg0 : i32 to index
      %swap3A_23 = memref.load %arg7[%swap3A_22] : memref<2xf32, #tpu.memory_space<smem>>
      memref.store %swap3A_21, %arg7[%swap3A_22] : memref<2xf32, #tpu.memory_space<smem>>
    } else {
    }
    %broadcast_in_dim3A = arith.constant 0.000000e+00 : f32
    %broadcast_in_dim3A_2 = vector.broadcast %broadcast_in_dim3A : f32 to vector<8x128xf32>
    %scan3A = arith.constant 0 : i32
    %scan3A_3 = arith.constant 29 : i32
    %scan3A_4 = arith.addi %scan3A, %scan3A_3 : i32
    %scan3A_5 = arith.constant 1 : i32
    %scan3A_6 = scf.for %scan3A_21 = %scan3A to %scan3A_4 step %scan3A_5 iter_args(%scan3A_22 = %broadcast_in_dim3A_2) -> (vector<8x128xf32>)  : i32 {
      %mul3A = arith.constant 8 : i32
      %mul3A_23 = arith.muli %scan3A_21, %mul3A : i32
      %get3A_24 = arith.constant 0 : index
      %get3A_25 = arith.index_cast %mul3A_23 : i32 to index
      %get3A_26 = arith.constant 0 : index
      %get3A_27 = vector.load %arg4[%get3A_24, %get3A_25, %get3A_26] : memref<1x232x128xi32, #tpu.memory_space<vmem>>, vector<1x8x128xi32>
      %get3A_28 = vector.shape_cast %get3A_27 : vector<1x8x128xi32> to vector<8x128xi32>
      %get3A_29 = arith.constant 0 : index
      %get3A_30 = arith.index_cast %mul3A_23 : i32 to index
      %get3A_31 = arith.constant 0 : index
      %get3A_32 = vector.load %arg5[%get3A_29, %get3A_30, %get3A_31] : memref<1x232x128xf32, #tpu.memory_space<vmem>>, vector<1x8x128xf32>
      %get3A_33 = vector.shape_cast %get3A_32 : vector<1x8x128xf32> to vector<8x128xf32>
      %gt3A = arith.constant 9.99999974E-5 : f32
      %gt3A_34 = vector.broadcast %gt3A : f32 to vector<8x128xf32>
      %gt3A_35 = arith.cmpf ogt, %get3A_33, %gt3A_34 : vector<8x128xf32>
      %jit3A = arith.constant 9.99999974E-5 : f32
      %broadcast_in_dim3A_36 = vector.broadcast %jit3A : f32 to vector<8x128xf32>
      %select_n3A = arith.select %gt3A_35, %get3A_33, %broadcast_in_dim3A_36 : vector<8x128xi1>, vector<8x128xf32>
      %lt3A = arith.constant 0.999899983 : f32
      %lt3A_37 = vector.broadcast %lt3A : f32 to vector<8x128xf32>
      %lt3A_38 = arith.cmpf olt, %select_n3A, %lt3A_37 : vector<8x128xf32>
      %jit3A_39 = arith.constant 0.999899983 : f32
      %broadcast_in_dim3A_40 = vector.broadcast %jit3A_39 : f32 to vector<8x128xf32>
      %select_n3A_41 = arith.select %lt3A_38, %select_n3A, %broadcast_in_dim3A_40 : vector<8x128xi1>, vector<8x128xf32>
      %sub3A = arith.constant 1.000000e+00 : f32
      %sub3A_42 = vector.broadcast %sub3A : f32 to vector<8x128xf32>
      %sub3A_43 = arith.subf %sub3A_42, %select_n3A_41 : vector<8x128xf32>
      %mul3A_44 = arith.mulf %sub3A_43, %sub3A_43 : vector<8x128xf32>
      %mul3A_45 = arith.constant 2.500000e-01 : f32
      %mul3A_46 = vector.broadcast %mul3A_45 : f32 to vector<8x128xf32>
      %mul3A_47 = arith.mulf %mul3A_46, %mul3A_44 : vector<8x128xf32>
      %log3A = math.log %select_n3A_41 : vector<8x128xf32>
      %neg3A = arith.constant 0.000000e+00 : f32
      %neg3A_48 = vector.broadcast %neg3A : f32 to vector<8x128xf32>
      %neg3A_49 = arith.subf %neg3A_48, %log3A : vector<8x128xf32>
      %mul3A_50 = arith.mulf %mul3A_47, %neg3A_49 : vector<8x128xf32>
      %mul3A_51 = arith.mulf %select_n3A_41, %select_n3A_41 : vector<8x128xf32>
      %mul3A_52 = arith.constant 7.500000e-01 : f32
      %mul3A_53 = vector.broadcast %mul3A_52 : f32 to vector<8x128xf32>
      %mul3A_54 = arith.mulf %mul3A_53, %mul3A_51 : vector<8x128xf32>
      %log3A_55 = math.log %sub3A_43 : vector<8x128xf32>
      %neg3A_56 = arith.constant 0.000000e+00 : f32
      %neg3A_57 = vector.broadcast %neg3A_56 : f32 to vector<8x128xf32>
      %neg3A_58 = arith.subf %neg3A_57, %log3A_55 : vector<8x128xf32>
      %mul3A_59 = arith.mulf %mul3A_54, %neg3A_58 : vector<8x128xf32>
      %ge3A = arith.constant 0 : i32
      %ge3A_60 = vector.broadcast %ge3A : i32 to vector<8x128xi32>
      %ge3A_61 = arith.cmpi sge, %get3A_28, %ge3A_60 : vector<8x128xi32>
      %sub3A_62 = arith.subf %mul3A_50, %mul3A_59 : vector<8x128xf32>
      %jit3A_63 = arith.constant 0.000000e+00 : f32
      %broadcast_in_dim3A_64 = vector.broadcast %jit3A_63 : f32 to vector<8x128xf32>
      %select_n3A_65 = arith.select %ge3A_61, %sub3A_62, %broadcast_in_dim3A_64 : vector<8x128xi1>, vector<8x128xf32>
      %add3A_66 = arith.addf %scan3A_22, %select_n3A_65 : vector<8x128xf32>
      scf.yield %add3A_66 : vector<8x128xf32>
    }
    %scan3A_7 = arith.constant 29 : i32
    %get3A = arith.index_cast %arg0 : i32 to index
    %get3A_8 = memref.load %arg7[%get3A] : memref<2xf32, #tpu.memory_space<smem>>
    %reduce_sum3A = vector.shape_cast %scan3A_6 : vector<8x128xf32> to vector<1x8x128xf32>
    %reduce_sum3A_9 = arith.constant dense<0.000000e+00> : vector<1xf32>
    %reduce_sum3A_10 = vector.multi_reduction <add>, %reduce_sum3A, %reduce_sum3A_9 [1, 2] : vector<1x8x128xf32> to vector<1xf32>
    %reduce_sum3A_11 = vector.shape_cast %reduce_sum3A_10 : vector<1xf32> to vector<1x1x1xf32>
    %reduce_sum3A_12 = vector.extract %reduce_sum3A_11[0, 0, 0] : f32 from vector<1x1x1xf32>
    %add3A = arith.addf %get3A_8, %reduce_sum3A_12 : f32
    %swap3A = arith.index_cast %arg0 : i32 to index
    %swap3A_13 = memref.load %arg7[%swap3A] : memref<2xf32, #tpu.memory_space<smem>>
    memref.store %add3A, %arg7[%swap3A] : memref<2xf32, #tpu.memory_space<smem>>
    %eq3A_14 = arith.constant 1 : i32
    %eq3A_15 = arith.cmpi eq, %arg0, %eq3A_14 : i32
    %eq3A_16 = arith.constant 3 : i32
    %eq3A_17 = arith.cmpi eq, %arg1, %eq3A_16 : i32
    %and3A = arith.andi %eq3A_15, %eq3A_17 : i1
    %convert_element_type3A_18 = arith.extui %and3A : i1 to i32
    %cond3A_19 = arith.constant 0 : i32
    %cond3A_20 = arith.cmpi ne, %convert_element_type3A_18, %cond3A_19 : i32
    scf.if %cond3A_20 {
      %get3A_21 = arith.constant 0 : index
      %get3A_22 = arith.constant 1 : index
      %get3A_23 = memref.load %arg2[%get3A_21, %get3A_22] : memref<2x2xf32, #tpu.memory_space<smem>>
      %max3A = arith.constant 1.000000e+00 : f32
      %max3A_24 = arith.maximumf %get3A_23, %max3A : f32
      %gt3A = arith.constant 0.000000e+00 : f32
      %gt3A_25 = arith.cmpf ogt, %get3A_23, %gt3A : f32
      %jit3A = arith.constant 1.000000e+00 : f32
      %jit3A_26 = arith.constant 0.000000e+00 : f32
      %select_n3A = arith.select %gt3A_25, %jit3A, %jit3A_26 : f32
      %get3A_27 = arith.constant 0 : index
      %get3A_28 = memref.load %arg3[%get3A_27] : memref<2xf32, #tpu.memory_space<smem>>
      %get3A_29 = arith.constant 0 : index
      %get3A_30 = memref.load %arg7[%get3A_29] : memref<2xf32, #tpu.memory_space<smem>>
      %add3A_31 = arith.addf %get3A_28, %get3A_30 : f32
      %div3A = arith.divf %add3A_31, %max3A_24 : f32
      %mul3A = arith.mulf %div3A, %select_n3A : f32
      %add3A_32 = arith.constant 0.000000e+00 : f32
      %add3A_33 = arith.addf %add3A_32, %mul3A : f32
      %get3A_34 = arith.constant 0 : index
      %get3A_35 = arith.constant 0 : index
      %get3A_36 = memref.load %arg2[%get3A_34, %get3A_35] : memref<2x2xf32, #tpu.memory_space<smem>>
      %div3A_37 = arith.divf %get3A_36, %max3A_24 : f32
      %mul3A_38 = arith.mulf %div3A_37, %select_n3A : f32
      %add3A_39 = arith.constant 0.000000e+00 : f32
      %add3A_40 = arith.addf %add3A_39, %mul3A_38 : f32
      %add3A_41 = arith.constant 0.000000e+00 : f32
      %add3A_42 = arith.addf %add3A_41, %select_n3A : f32
      %get3A_43 = arith.constant 1 : index
      %get3A_44 = arith.constant 1 : index
      %get3A_45 = memref.load %arg2[%get3A_43, %get3A_44] : memref<2x2xf32, #tpu.memory_space<smem>>
      %max3A_46 = arith.constant 1.000000e+00 : f32
      %max3A_47 = arith.maximumf %get3A_45, %max3A_46 : f32
      %gt3A_48 = arith.constant 0.000000e+00 : f32
      %gt3A_49 = arith.cmpf ogt, %get3A_45, %gt3A_48 : f32
      %jit3A_50 = arith.constant 1.000000e+00 : f32
      %jit3A_51 = arith.constant 0.000000e+00 : f32
      %select_n3A_52 = arith.select %gt3A_49, %jit3A_50, %jit3A_51 : f32
      %get3A_53 = arith.constant 1 : index
      %get3A_54 = memref.load %arg3[%get3A_53] : memref<2xf32, #tpu.memory_space<smem>>
      %get3A_55 = arith.constant 1 : index
      %get3A_56 = memref.load %arg7[%get3A_55] : memref<2xf32, #tpu.memory_space<smem>>
      %add3A_57 = arith.addf %get3A_54, %get3A_56 : f32
      %div3A_58 = arith.divf %add3A_57, %max3A_47 : f32
      %mul3A_59 = arith.mulf %div3A_58, %select_n3A_52 : f32
      %add3A_60 = arith.addf %add3A_33, %mul3A_59 : f32
      %get3A_61 = arith.constant 1 : index
      %get3A_62 = arith.constant 0 : index
      %get3A_63 = memref.load %arg2[%get3A_61, %get3A_62] : memref<2x2xf32, #tpu.memory_space<smem>>
      %div3A_64 = arith.divf %get3A_63, %max3A_47 : f32
      %mul3A_65 = arith.mulf %div3A_64, %select_n3A_52 : f32
      %add3A_66 = arith.addf %add3A_40, %mul3A_65 : f32
      %add3A_67 = arith.addf %add3A_42, %select_n3A_52 : f32
      %max3A_68 = arith.constant 1.000000e+00 : f32
      %max3A_69 = arith.maximumf %add3A_67, %max3A_68 : f32
      %div3A_70 = arith.divf %add3A_60, %max3A_69 : f32
      %swap3A_71 = arith.constant 0 : index
      %swap3A_72 = memref.load %arg6[%swap3A_71] : memref<2xf32, #tpu.memory_space<smem>>
      memref.store %div3A_70, %arg6[%swap3A_71] : memref<2xf32, #tpu.memory_space<smem>>
      %div3A_73 = arith.divf %add3A_66, %max3A_69 : f32
      %swap3A_74 = arith.constant 1 : index
      %swap3A_75 = memref.load %arg6[%swap3A_74] : memref<2xf32, #tpu.memory_space<smem>>
      memref.store %div3A_73, %arg6[%swap3A_74] : memref<2xf32, #tpu.memory_space<smem>>
    } else {
    }
    return
  }
  func.func @transform_0(%arg0: i32, %arg1: i32) -> (i32, i32) {
    %c0_i32 = arith.constant 0 : i32
    %c0_i32_0 = arith.constant 0 : i32
    %c0_i32_1 = arith.constant 0 : i32
    return %c0_i32, %c0_i32_0 : i32, i32
  }
  func.func @transform_1(%arg0: i32, %arg1: i32) -> i32 {
    %c0_i32 = arith.constant 0 : i32
    %c0_i32_0 = arith.constant 0 : i32
    return %c0_i32 : i32
  }
  func.func @transform_2(%arg0: i32, %arg1: i32) -> (i32, i32, i32) {
    %c0_i32 = arith.constant 0 : i32
    %c0_i32_0 = arith.constant 0 : i32
    return %arg0, %arg1, %c0_i32 : i32, i32, i32
  }
  func.func @transform_3(%arg0: i32, %arg1: i32) -> (i32, i32, i32) {
    %c0_i32 = arith.constant 0 : i32
    %c0_i32_0 = arith.constant 0 : i32
    return %arg0, %arg1, %c0_i32 : i32, i32, i32
  }
  func.func @transform_4(%arg0: i32, %arg1: i32) -> i32 {
    %c0_i32 = arith.constant 0 : i32
    %c0_i32_0 = arith.constant 0 : i32
    return %c0_i32 : i32
  }
}

</mosaic_0001>

<sc_bundles>
// kernel: kernel.6.cloned.1.call-start
scs
__scs_entry_jumppad:
0x0: {  	(pc) =	sbr.rel $0x88, $3  }
0x1: {  	(tag) =	ssettag $0x0;
	lr =	simm.s32 $0x1  }
0x2: {  	[smem:$0x3F9D] =	sst lr;
	_ =	strace $0xD0000000  }
0x3: {  	_ = 	snop  }
0x4: {  	_ = 	snop  }
0x5: {  	_ = 	snop  }
0x6: {  	_ = 	snop  }
0x7: {  	_ = 	snop  }
__scs_overlays_trampoline_lowered:
0x8: {  	[smem:$0x3FAC] =	sst s0  }
0x9: {  	[smem:$0x3FAD] =	sst s1  }
0xa: {  	[smem:$0x3FAE] =	sst s2  }
0xb: {  	[smem:$0x3FAF] =	sst s3  }
0xc: {  	[smem:$0x3FB0] =	sst s4  }
0xd: {  	[smem:$0x3FB1] =	sst s5  }
0xe: {  	[smem:$0x3FB2] =	sst s6  }
0xf: {  	[smem:$0x3FB3] =	sst s7  }
0x10: {  	[smem:$0x3FB4] =	sst s8  }
0x11: {  	[smem:$0x3FB5] =	sst s9;
	s0 =	simm.s32 @!p0 $0x0  }
0x12: {  	s1 =	sld [smem:$0x3F9B];
	s0 =	simm.s32 @p0 $0x1  }
0x13: {  	[smem:$0x3FB6] =	sst s0;
	s0 =	simm.s32 @!p1 $0x0  }
0x14: {  	s2 =	sld [smem:$0x3F9A];
	s0 =	simm.s32 @p1 $0x1  }
0x15: {  	[smem:$0x3FB7] =	sst s0;
	s0 =	simm.s32 @!p2 $0x0  }
0x16: {  	s3 =	sld [smem:$0x3FDB];
	s0 =	simm.s32 @p2 $0x1  }
0x17: {  	s4 =	simm.s32 $0x1BF5;
	[smem:$0x3FB9] =	sst s0  }
0x18: {  	s0 =	sld [smem:$0x3F9C];
	_ =	swait.ge [sflag:s4], $0x0  }
0x19: {  	s7 =	sld [smem:$0x3F9D]  }
0x1a: {  	s8 =	sadd.s32 $0xFFFFE003, lr  }
0x1b: {  	s9 =	sadd.s32 $0xFFFFFEF7, lr;
	s5 =	simm.s32 $0xFFFFFFFF;
	p2 =	slt.u32 s8, $0xFFFFF086  }
0x1c: {  	p1 =	slt.u32 s9, $0xF7A;
	s5 =	simm.s32 @!p2 $0x0  }
0x1d: {  	s5 =	simm.s32 @p1 $0x1;
	p0 =	seq.s32 s7, s2  }
0x1e: {  	s7 =	smul.u32 @!p0 $0xF7A, s2;
	p2 =	seq.s32 @!p0 s5, $0x0  }
0x1f: {  	s9 =	smul.u32 $0xF7A, s1;
	s8 =	simm.s32 @!p0 $0x1BF5;
	p2 =	por !p2, p0  }
0x20: {  	[sflag:s8] =	ssyncset.s32 @!p0 $0xFFFFF086;
	s6 =	sadd.s32 @!p0 s3, s7;
	s7 =	simm.s32 @!p0 $0x108  }
0x21: {  	s3 =	sadd.s32 s3, s9;
	s6 =	sadd.s32 @!p0 $0x88, s6;
	s7 =	simm.s32 @p2 $0x1082  }
0x22: {  	[simem:s7], [sflag:s8] =	dma.local @!p0 [hbm:s6], $0xF7A  }
0x23: {  	s9 =	sor.u32 $0xD0000000, s2;
	s6 =	simm.s32 $0x108;
	_ =	swait.ge @!p0 [sflag:s8], $0x0  }
0x24: {  	s3 =	sadd.s32 $0x88, s3;
	s6 =	simm.s32 @!p1 $0x1082;
	[sflag:s4] =	ssyncset.s32 $0xFFFFF086  }
0x25: {  	[simem:s6], [sflag:s4] =	dma.local [hbm:s3], $0xF7A  }
0x26: {  	[smem:$0x3F9D] =	sst s1;
	(tag) =	ssettag s2;
	_ =	strace s9  }
0x27: {  	s1 =	sld [smem:$0x3FAD]  }
0x28: {  	s2 =	sld [smem:$0x3FAE]  }
0x29: {  	s4 =	sld [smem:$0x3FB0]  }
0x2a: {  	p0 =	seq.s32 s5, $0x0;
	s5 =	sld [smem:$0x3FB1]  }
0x2b: {  	s6 =	sld [smem:$0x3FB2]  }
0x2c: {  	s7 =	sld [smem:$0x3FB3]  }
0x2d: {  	s3 =	simm.s32 $0x108;
	s8 =	sld [smem:$0x3FB4]  }
0x2e: {  	s3 =	simm.s32 @!p0 $0x1082;
	s9 =	sld [smem:$0x3FB5]  }
0x2f: {  	lr =	sadd.s32 s0, s3;
	s0 =	sld [smem:$0x3FAC]  }
0x30: {  	s3 =	sld [smem:$0x3FAF]  }
0x31: {  	[smem:$0x3FB8] =	sst s10  }
0x32: {  	s10 =	sld [smem:$0x3FB6];
	_ =	sdelay $0x3  }
0x33: {  	p0 =	seq.s32 s10, $0x1;
	s10 =	sld [smem:$0x3FB8];
	_ =	sdelay $0x3  }
0x34: {  	[smem:$0x3FB8] =	sst s10  }
0x35: {  	s10 =	sld [smem:$0x3FB7];
	_ =	sdelay $0x3  }
0x36: {  	p1 =	seq.s32 s10, $0x1;
	s10 =	sld [smem:$0x3FB8];
	_ =	sdelay $0x3  }
0x37: {  	[smem:$0x3FB8] =	sst s10  }
0x38: {  	s10 =	sld [smem:$0x3FB9]  }
0x39: {  	_ = 	snop;
	(pc) =	sbr.ind lr, $3  }
0x3a: {  	_ = 	snop  }
0x3b: {  	_ = 	snop  }
0x3c: {  	p2 =	seq.s32 s10, $0x1;
	s10 =	sld [smem:$0x3FB8]  }
0x3d: {  	_ =	shalt  }
0x3e: {  	_ =	shalt  }
0x3f: {  	_ =	shalt  }
0x40: {  	_ =	shalt  }
0x41: {  	_ =	shalt  }
0x42: {  	_ =	shalt  }
0x43: {  	_ =	shalt  }
0x44: {  	_ =	shalt  }
0x45: {  	_ =	shalt  }
0x46: {  	_ =	shalt  }
0x47: {  	_ =	shalt  }
0x48: {  	_ =	shalt  }
0x49: {  	_ =	shalt  }
0x4a: {  	_ =	shalt  }
0x4b: {  	_ =	shalt  }
0x4c: {  	_ =	shalt  }
0x4d: {  	_ =	shalt  }
0x4e: {  	_ =	shalt  }
0x4f: {  	_ =	shalt  }
0x50: {  	_ =	shalt  }
0x51: {  	_ =	shalt  }
0x52: {  	_ =	shalt  }
0x53: {  	_ =	shalt  }
0x54: {  	_ =	shalt  }
0x55: {  	_ =	shalt  }
0x56: {  	_ =	shalt  }
0x57: {  	_ =	shalt  }
0x58: {  	_ =	shalt  }
0x59: {  	_ =	shalt  }
0x5a: {  	_ =	shalt  }
0x5b: {  	_ =	shalt  }
0x5c: {  	_ =	shalt  }
0x5d: {  	_ =	shalt  }
0x5e: {  	_ =	shalt  }
0x5f: {  	_ =	shalt  }
0x60: {  	_ =	shalt  }
0x61: {  	_ =	shalt  }
0x62: {  	_ =	shalt  }
0x63: {  	_ =	shalt  }
0x64: {  	_ =	shalt  }
0x65: {  	_ =	shalt  }
0x66: {  	_ =	shalt  }
0x67: {  	_ =	shalt  }
0x68: {  	_ =	shalt  }
0x69: {  	_ =	shalt  }
0x6a: {  	_ =	shalt  }
0x6b: {  	_ =	shalt  }
0x6c: {  	_ =	shalt  }
0x6d: {  	_ =	shalt  }
0x6e: {  	_ =	shalt  }
0x6f: {  	_ =	shalt  }
0x70: {  	_ =	shalt  }
0x71: {  	_ =	shalt  }
0x72: {  	_ =	shalt  }
0x73: {  	_ =	shalt  }
0x74: {  	_ =	shalt  }
0x75: {  	_ =	shalt  }
0x76: {  	_ =	shalt  }
0x77: {  	_ =	shalt  }
0x78: {  	_ =	shalt  }
0x79: {  	_ =	shalt  }
0x7a: {  	_ =	shalt  }
0x7b: {  	_ =	shalt  }
0x7c: {  	_ =	shalt  }
0x7d: {  	_ =	shalt  }
0x7e: {  	_ =	shalt  }
0x7f: {  	_ =	shalt  }
0x80: {  	_ =	shalt  }
0x81: {  	_ =	shalt  }
0x82: {  	_ =	shalt  }
0x83: {  	_ =	shalt  }
0x84: {  	_ =	shalt  }
0x85: {  	_ =	shalt  }
0x86: {  	_ =	shalt  }
0x87: {  	_ =	shalt  }
.Lfunc_end0:
.L_simem_size_0:
called_computation_lowered:
.L_overlay_start_0:
0x88: {  	s2 =	sld [smem:$0x3FD9]  }
0x89: {  	s3 =	sld [smem:$0x3FFE];
	_ =	sdelay $0x1  }
0x8a: {  	s1 =	srdreg.scid  }
0x8b: {  	s0 =	sand.u32 $0x1, s1  }
0x8c: {  	s16 =	sshll.u32 s0, $0xA;
	s2 =	sadd.s32 s3, s2  }
0x8d: {  	s2 =	sadd.s32 s2, s16  }
0x8e: {  	[smem:$0x3FC4] =	sst s2  }
0x8f: {  	_ = 	snop  }
0x90: {  	(tm) =	ssettm $0x1  }
0x91: {  	s17 =	sld [smem:$0x3FFB];
	_ =	sdelay $0x3  }
0x92: {  	_ =	strace s17  }
0x93: {  	s2 =	sld [smem:$0x3FFC];
	_ =	sdelay $0x3  }
0x94: {  	_ =	strace s2  }
0x95: {  	s2 =	sld [smem:$0x3FFD];
	_ =	sdelay $0x3  }
0x96: {  	_ =	strace s2  }
0x97: {  	_ =	strace $0x8FFFFFFF  }
0x98: {  	s18 =	sld [smem:$0x3FDB];
	_ =	sdelay $0x1  }
0x99: {  	s19 =	simm.s32 $_scs_section_size  }
0x9a: {  	s4 =	simm.s32 $_size__tile_overlayer_lowered;
	s5 =	simm.s32 $_tile_overlayer_lowered  }
0x9b: {  	s22 =	simm.s32 $0x1BFF;
	s21 =	sshll.u32 s5, $0x1;
	s2 =	sadd.s32 s19, s18  }
0x9c: {  	s6 =	simm.s32 $0x0;
	s20 =	sshll.u32 s4, $0x1;
	s4 =	sadd.s32 s21, s2  }
0x9d: {  	[timem:s6], [sflag:s22] =	dma.local [hbm:s4], s20  }
0x9e: {  	_ =	swait.ge [sflag:s22], s20  }
0x9f: {  	s3 =	ssub.s32 $0x0, s20;
	[sflag:s22] =	ssyncset.done $0x0  }
0xa0: {  	[sflag:s22] =	ssyncadd.s32 s3;
	_ =	sdelay $0x1  }
0xa1: {  	s23 =	simm.s32 $0x1B8B  }
0xa2: {  	_ =	swait.ge [sflag:s23], $0x1  }
0xa3: {  	[sflag:s23] =	ssyncset.done $0x0  }
0xa4: {  	s25 =	simm.s32 $0x1B8E;
	s24 =	sld [smem:$0x3FFE];
	[sflag:s23] =	ssyncadd.s32 $0xFFFFFFFF  }
0xa5: {  	s26 =	simm.s32 $execute0_lowered;
	[smem:$0x3FD2] =	sst s25  }
0xa6: {  	s4 =	sshll.u32 s26, $0x1;
	_ =	strace $0x80000046;
	[dreg:$0x1] =	wrdreg $0xFFFFFFFF  }
0xa7: {  	s28 =	simm.s32 $_size_execute0_lowered;
	s2 =	sadd.s32 s2, s4;
	[dreg:$0x0] =	wrdreg $0x0  }
0xa8: {  	s4 =	sshll.u32 s28, $0x1;
	[dreg:$0x2] =	wrdreg s2  }
0xa9: {  	[dreg:$0x3] =	wrdreg s4  }
0xaa: {  	[dreg:$0x4] =	wrdreg $0xC0  }
0xab: {  	_ =	task [dreg:s6], $0x5FFFF  }
0xac: {  	[dreg:$0x1] =	wrdreg $0xFFFFFFFF  }
0xad: {  	[dreg:$0x0] =	wrdreg $0x60  }
0xae: {  	[dreg:$0x2] =	wrdreg s24  }
0xaf: {  	[dreg:$0x3] =	wrdreg $0x9  }
0xb0: {  	_ =	task.clear_ibuf [dreg:s6], $0x4FFFF;
	_ =	strace $0x90000046  }
0xb1: {  	s29 =	simm.s32 $0x9;
	_ =	strace $0x80000048  }
0xb2: {  	_ =	swait.ge [sflag:s29], $0x1  }
0xb3: {  	[sflag:s29] =	ssyncadd.s32 $0xFFFFFFFF  }
0xb4: {  	_ =	strace $0x90000048  }
0xb5: {  	_ =	sfence  }
0xb6: {  	s30 =	sld [smem:$0x0];
	_ =	sdelay $0x2  }
0xb7: {  	s31 =	sshll.u32 s1, $0xD;
	s1 =	sshrl.u32 s1, $0x2  }
0xb8: {  	s3 =	sand.u32 $0x4000, s31;
	s1 =	sadd.s32 s1, s30  }
0xb9: {  	s0 =	sor.u32 s3, s0;
	s1 =	sshll.u32 s1, $0x11  }
0xba: {  	s0 =	sor.u32 s1, s0  }
0xbb: {  	s0 =	sadd.s32 $0x8F2B, s0  }
0xbc: {  	[sflag:s0] =	ssyncadd.remote.s32 $0x1  }
0xbd: {  	_ =	sfence.sel $0xFFFF  }
0xbe: {  	[dreg:$0x0] =	wrdreg $0xFFFFFFFF;
	(pc) =	sbr.abs _section_cstart, $3  }
0xbf: {  	[dreg:$0x1] =	wrdreg $0xFFFFFFFF  }
0xc0: {  	_ =	task.clear_ibuf [dreg:s6], $0x2FFFF;
	_ =	strace $0x9FFFFFFF  }
0xc1: {  	(tm) =	ssettm $0x7FFFFFFF  }
tec
execute0_lowered:
.L_overlay_start_1:
0x0: {  	(tag) =	ssettag $0x1  }
0x1: {  	s4 =	rddreg [dreg:$0x0]  }
0x2: {  	s0 =	rddreg [dreg:$0x1];
	s3 =	srdreg.scid  }
0x3: {  	s2 =	simm.s32 $0x0;
	s1 =	stileid.u32;
	s7 =	simm.s32 $0x2  }
0x4: {  	s8 =	simm.s32 $0x80;
	s9 =	simm.s32 $0x1;
	s10 =	simm.s32 $0x2000  }
0x5: {  	s11 =	simm.s32 $0x0;
	s3 =	sand.u32 $0x1, s3;
	[smem:$0x7FF] =	sst s2  }
0x6: {  	s5 =	sshll.u32 s1, $0xB;
	s6 =	sshll.u32 s3, $0xA;
	s30 =	ssub.s32 $0x2, s3  }
0x7: {  	_ =	strace $0x80000047;
	s5 =	sor.u32 s6, s5;
	s31 =	sshrl.u32 s30, $0x1  }
0x8: {  	s3 =	sadd.s32 $0xE00, s4;
	s5 =	sadd.s32 s5, s4;
	s6 =	ssub.s32 s30, s31  }
0x9: {  	s4 =	sadd.s32 $0x5DCA00, s5;
	s5 =	sadd.s32 $0x5E4A00, s5;
	s6 =	smax.u32 s6, $0x1  }
.LBB2_1:
0xa: {  	[tilespmem:s2], [sflag:$0x2] =	stream.linear.gather [hbm4b:s4+s2], $0x1D00, $0x38;
	[tilespmem:$0x4000] =	vst v63  }
0xb: {  	_ =	swait.ge [sflag:s7], $0x1D00  }
0xc: {  	s12 =	simm.s32 $0x200;
	[sflag:s7] =	ssyncset.done $0x0  }
0xd: {  	s13 =	simm.s32 $0x0;
	s14 =	simm.s32 $0x2000;
	[sflag:s7] =	ssyncadd.s32 $0xFFFFE300  }
.LBB2_2:
0xe: {  	[tilespmem:s14], [sflag:$0x1] =	stream.indirect.gather [hbm4b:s3+s8], $0x1, s13, s8, $0xb8;
	[tilespmem:$0x4000] =	vst v63  }
0xf: {  	s13 =	smov.u32 s12;
	p0 =	sne.s32 s12, $0x7200  }
.Ltmp0:
0x10: {  	s12 =	sadd.s32 $0x200, s12;
	(pc) =	sbr.rel @p0 .LBB2_2-.Ltmp0, $3  }
0x11: {  	_ =	sdelay $0x1  }
0x12: {  	s13 =	sshra.s32 s13, $0x2  }
0x13: {  	s14 =	sadd.s32 $0x2000, s13  }
0x14: {  	[tilespmem:s14], [sflag:$0x1] =	stream.indirect.gather [hbm4b:s3+s8], $0x1, s13, s8, $0xb8;
	[tilespmem:$0x4000] =	vst v63  }
0x15: {  	s11 =	sadd.s32 $0x1, s11;
	_ =	swait.ge [sflag:s9], $0x1D00  }
0x16: {  	p0 =	sne.s32 s11, s6;
	[sflag:s9] =	ssyncset.done $0x0  }
.Ltmp1:
0x17: {  	[sflag:s9] =	ssyncadd.s32 $0xFFFFE300;
	(pc) =	sbr.rel @p0 .LBB2_1-.Ltmp1, $4  }
0x18: {  	[hbm4b:s5+s2] =	stream.linear.scatter [tilespmem:s10], [sflag:$0x2], $0x1D00, $0x38;
	[tilespmem:$0x4000] =	vst v63  }
0x19: {  	_ =	swait.ge [sflag:s7], $0x1D00  }
0x1a: {  	[sflag:s7] =	ssyncset.done $0x0  }
0x1b: {  	[sflag:s7] =	ssyncadd.s32 $0xFFFFE300  }
0x1c: {  	_ =	sfence.sel $0x180000  }
0x1d: {  	[bflag:$0x0] =	sbarrier.arrive $0xFFFF  }
0x1e: {  	p0 =	sne.s32 s1, $0x0;
	_ =	strace $0x90000047  }
0x1f: {  	s0 =	sadd.s32 @!p0 $0x100000, s0;
	[bflag:$0x2] =	sbarrier.arrive $0xFFFF  }
0x20: {  	[sflag:s0] =	ssyncadd.tile.s32 @!p0 $0x1;
	_ =	shalt  }
.Lfunc_end2:
_tile_overlayer_lowered:
.L_overlay_start_2:
0x21: {  	(tag) =	ssettag $0x2  }
0x22: {  	s0 =	rddreg [dreg:$0x0];
	s2 =	stileid.u32  }
0x23: {  	s1 =	rddreg [dreg:$0x1];
	p0 =	sne.s32 s2, $0x0  }
0x24: {  	s3 =	rddreg [dreg:$0x2];
	[bflag:$0x3] =	sbarrier.arrive $0xFFFF;
	s2 =	simm.s32 @!p0 $0x1C02  }
0x25: {  	[timem:s3], [sflag:s2] =	dma.local @!p0 [hbm:s0], s1  }
0x26: {  	s0 =	simm.s32 @!p0 $0x2  }
0x27: {  	_ =	swait.ge @!p0 [sflag:s0], s1  }
0x28: {  	s1 =	ssub.s32 @!p0 $0x0, s1;
	[sflag:s0] =	ssyncset.done @!p0 $0x0  }
0x29: {  	[sflag:s0] =	ssyncadd.s32 @!p0 s1  }
0x2a: {  	[bflag:$0x3] =	sbarrier.arrive $0xFFFF  }
0x2b: {  	_ =	shalt  }

</sc_bundles>
